<compile_context>
chip_gen: v7x
topology: tpu7x:2x2x1
jax: 0.10.2.dev20260603
libtpu: 0.0.44.dev20260713+nightly
codegen_flags: <defaults>
</compile_context>

<pallas_src>
import functools

import jax
import jax.numpy as jnp
from jax import lax
from jax.experimental import pallas as pl
from jax.experimental.pallas import tpu as pltpu
from jax.experimental.pallas import tpu_sc as plsc

_NUM_CORES = 2
_NUM_SUBCORES = 16
_NUM_WORKERS = _NUM_CORES * _NUM_SUBCORES

_CHUNK = 128
_NBUF = 7
_LEAD = 4


@functools.partial(jax.jit, static_argnames=("seq", "bt_n", "embed_dim"))
def _sc_gather(idxT2, table, *, seq, bt_n, embed_dim):
    n_blocks = idxT2.shape[0]
    blocks_per_w = n_blocks // _NUM_WORKERS

    mesh = plsc.VectorSubcoreMesh(core_axis_name="c", subcore_axis_name="s")

    @functools.partial(
        pl.kernel,
        out_type=jax.ShapeDtypeStruct((seq, bt_n, _CHUNK, 2 * embed_dim),
                                      jnp.float32),
        mesh=mesh,
        scratch_types=[
            pltpu.VMEM((blocks_per_w, _CHUNK), jnp.int32),
            pltpu.VMEM((_NBUF, _CHUNK, embed_dim), jnp.float32),
            pltpu.SemaphoreType.DMA((_NBUF,)),
            pltpu.SemaphoreType.DMA((_NBUF,)),
        ],
        compiler_params=pltpu.CompilerParams(
            use_tc_tiling_on_sc=False, needs_layout_passes=False),
    )
    def k(idx_hbm, table_hbm, out_hbm, idx_v, rows_v, gsem, wsem):
        wid = lax.axis_index("s") * _NUM_CORES + lax.axis_index("c")
        base = wid * blocks_per_w

        pltpu.sync_copy(idx_hbm.at[pl.ds(base, blocks_per_w)], idx_v)

        def gather(i, b):
            pltpu.async_copy(
                table_hbm.at[idx_v.at[i]], rows_v.at[b], gsem.at[b])

        def gather_wait(i, b):
            pltpu.make_async_copy(
                table_hbm.at[idx_v.at[i]], rows_v.at[b], gsem.at[b]).wait()

        def wb_dst(i):
            j = base + i
            return out_hbm.at[j // bt_n, lax.rem(j, bt_n), :,
                              pl.ds(0, embed_dim)]

        def writeback(i, b):
            pltpu.async_copy(rows_v.at[b], wb_dst(i), wsem.at[b])

        def writeback_wait(i, b):
            pltpu.make_async_copy(rows_v.at[b], wb_dst(i), wsem.at[b]).wait()

        for i in range(_LEAD):
            gather(i, i % _NBUF)

        def body(B, carry):
            nxt = B + _LEAD

            @pl.when(nxt < blocks_per_w)
            def _():
                bn = lax.rem(nxt, _NBUF)

                @pl.when(nxt >= _NBUF)
                def _():
                    writeback_wait(nxt - _NBUF, bn)

                gather(nxt, bn)

            b = lax.rem(B, _NBUF)
            gather_wait(B, b)
            writeback(B, b)
            return carry

        lax.fori_loop(0, blocks_per_w, body, 0)

        for i in range(blocks_per_w - _NBUF, blocks_per_w):
            writeback_wait(i, i % _NBUF)

    return k(idxT2, table)


def kernel(inputs, table):
    batch, seq = inputs.shape
    vocab, embed_dim = table.shape
    bt_n = batch // _CHUNK

    idxT2 = inputs.T.reshape(seq * bt_n, _CHUNK).astype(jnp.int32) * 2

    tp = jnp.pad(table, ((0, 0), (0, embed_dim)))
    t2 = tp.reshape(2 * vocab, embed_dim)

    out4 = _sc_gather(idxT2, t2, seq=seq, bt_n=bt_n, embed_dim=embed_dim)
    y = out4[..., :embed_dim]
    return y.transpose(1, 2, 0, 3).reshape(batch, seq, embed_dim)

# --- scband reference (transcript-rebuilt; emitter-appended) ---
"""Pipeline reference for scband-custom-embedding-65103114273065 (READ-ONLY COPY).

The authoritative reference and input builder live on the scoring server;
editing this copy changes nothing except your own understanding.
"""

import jax, jax.numpy as jnp
import numpy as np

VOCAB = 1000000
EMBED_DIM = 64
BATCH = 4096
SEQ = 200


def setup_inputs(seed: int = 0) -> dict:
    key = jax.random.key(seed)
    k1, k2 = jax.random.split(key)
    inputs = jax.random.randint(k1, (BATCH, SEQ), 0, VOCAB, dtype=jnp.int64 if jax.config.jax_enable_x64 else jnp.int32)
    table = jax.random.normal(k2, (VOCAB, EMBED_DIM), dtype=jnp.float32) * 0.02
    return {"inputs": inputs, "table": table}


def reference(inputs, table):
    # Embedding lookup (keras Embedding.call -> gather on axis 0).
    x = jnp.take(table, inputs, axis=0)
    # Dropout is identity in inference mode (keras Dropout with training=False).
    return x

if __name__ == "__main__":
    import jax
    _d = setup_inputs()
    print(jax.jit(kernel)(*tuple(_d.values())))

</pallas_src>

<mosaic_0001>
#map = affine_map<(d0, d1) -> (0, 0)>
#map1 = affine_map<(d0, d1) -> (0, 0, 0, 0)>
module attributes {stable_mosaic.version = 14 : i64} {
  func.func @k(%arg0: i32, %arg1: i32, %arg2: memref<6400x128xi32, #tpu.memory_space<hbm>>, %arg3: memref<2000000x64xf32, #tpu.memory_space<hbm>>, %arg4: memref<200x32x128x128xf32, #tpu.memory_space<hbm>>, %arg5: memref<200x128xi32, #tpu.memory_space<vmem>>, %arg6: memref<7x128x64xf32, #tpu.memory_space<vmem>>, %arg7: memref<7x!tpu.dma_semaphore, #tpu.memory_space<semaphore_mem>>, %arg8: memref<7x!tpu.dma_semaphore, #tpu.memory_space<semaphore_mem>>) attributes {dimension_semantics = [#tpu.dimension_semantics<core_parallel>, #tpu.dimension_semantics<subcore_parallel>], iteration_bounds = array<i64: 2, 16>, scalar_prefetch = 0 : i64, scratch_operands = 4 : i64, tpu.core_type = #tpu.core_type<sc_vector_subcore>, window_params = [{transform_indices = #map}, {transform_indices = #map}, {transform_indices = #map1}]} {
    %mul3A = arith.constant 2 : i32
    %mul3A_0 = arith.muli %arg1, %mul3A : i32
    %add3A = arith.addi %mul3A_0, %arg0 : i32
    %mul3A_1 = arith.constant 200 : i32
    %mul3A_2 = arith.muli %add3A, %mul3A_1 : i32
    "tpu.region"() ({
      %run_scoped3A = tpu.sem_alloc : memref<!tpu.dma_semaphore, #tpu.memory_space<semaphore_mem>>
      %dma_start3A_394 = arith.constant 0 : i32
      %dma_start3A_395 = tpu.memref_slice %arg2[%mul3A_2, %dma_start3A_394] : memref<6400x128xi32, #tpu.memory_space<hbm>> -> memref<200x128xi32, #tpu.memory_space<hbm>>
      %dma_start3A_396 = arith.constant 0 : i32
      %dma_start3A_397 = tpu.memref_slice %arg2[%mul3A_2, %dma_start3A_396] : memref<6400x128xi32, #tpu.memory_space<hbm>> -> memref<200x128xi32, #tpu.memory_space<hbm>>
      tpu.enqueue_dma source(%dma_start3A_397 : memref<200x128xi32, #tpu.memory_space<hbm>>) target(%arg5 : memref<200x128xi32, #tpu.memory_space<vmem>>) target_semaphore(%run_scoped3A : memref<!tpu.dma_semaphore, #tpu.memory_space<semaphore_mem>>)
      %dma_wait3A_398 = arith.constant 0 : i32
      %dma_wait3A_399 = tpu.memref_slice %arg2[%mul3A_2, %dma_wait3A_398] : memref<6400x128xi32, #tpu.memory_space<hbm>> -> memref<200x128xi32, #tpu.memory_space<hbm>>
      %dma_wait3A_400 = arith.constant 0 : i32
      %dma_wait3A_401 = tpu.memref_slice %arg2[%mul3A_2, %dma_wait3A_400] : memref<6400x128xi32, #tpu.memory_space<hbm>> -> memref<200x128xi32, #tpu.memory_space<hbm>>
      tpu.wait_dma2 semaphore(%run_scoped3A : memref<!tpu.dma_semaphore, #tpu.memory_space<semaphore_mem>>) src(%dma_wait3A_401 : memref<200x128xi32, #tpu.memory_space<hbm>>) dst(%arg5 : memref<200x128xi32, #tpu.memory_space<vmem>>)
      tpu.yield
    }) : () -> ()
    %dma_start3A = arith.constant 0 : i32
    %dma_start3A_3 = arith.constant 0 : i32
    %dma_start3A_4 = arith.constant 0 : i32
    %dma_start3A_5 = arith.constant 0 : i32
    %dma_start3A_6 = arith.constant 0 : i32
    %dma_start3A_7 = tpu.memref_slice %arg6[%dma_start3A_3, %dma_start3A_5, %dma_start3A_6] : memref<7x128x64xf32, #tpu.memory_space<vmem>> -> memref<1x128x64xf32, #tpu.memory_space<vmem>>
    %dma_start3A_8 = tpu.memref_squeeze %dma_start3A_7 : memref<1x128x64xf32, #tpu.memory_space<vmem>> -> memref<128x64xf32, #tpu.memory_space<vmem>>
    %dma_start3A_9 = arith.constant 0 : i32
    %dma_start3A_10 = tpu.memref_slice %arg5[%dma_start3A, %dma_start3A_9] : memref<200x128xi32, #tpu.memory_space<vmem>> -> memref<1x128xi32, #tpu.memory_space<vmem>>
    %dma_start3A_11 = tpu.memref_squeeze %dma_start3A_10 : memref<1x128xi32, #tpu.memory_space<vmem>> -> memref<128xi32, #tpu.memory_space<vmem>>
    %dma_start3A_12 = arith.constant 0 : i32
    %dma_start3A_13 = arith.constant 0 : i32
    %dma_start3A_14 = tpu.memref_slice %arg3[%dma_start3A_12, %dma_start3A_13] : memref<2000000x64xf32, #tpu.memory_space<hbm>> -> memref<2000000x64xf32, #tpu.memory_space<hbm>>
    %dma_start3A_15 = tpu.memref_slice %arg7[%dma_start3A_4] : memref<7x!tpu.dma_semaphore, #tpu.memory_space<semaphore_mem>> -> memref<1x!tpu.dma_semaphore, #tpu.memory_space<semaphore_mem>>
    %dma_start3A_16 = tpu.memref_squeeze %dma_start3A_15 : memref<1x!tpu.dma_semaphore, #tpu.memory_space<semaphore_mem>> -> memref<!tpu.dma_semaphore, #tpu.memory_space<semaphore_mem>>
    tpu.enqueue_indirect_dma source(%dma_start3A_14 : memref<2000000x64xf32, #tpu.memory_space<hbm>>) target(%dma_start3A_8 : memref<128x64xf32, #tpu.memory_space<vmem>>) offsets(%dma_start3A_11 : memref<128xi32, #tpu.memory_space<vmem>>) semaphore(%dma_start3A_16 : memref<!tpu.dma_semaphore, #tpu.memory_space<semaphore_mem>>)
    %dma_start3A_17 = arith.constant 1 : i32
    %dma_start3A_18 = arith.constant 1 : i32
    %dma_start3A_19 = arith.constant 1 : i32
    %dma_start3A_20 = arith.constant 0 : i32
    %dma_start3A_21 = arith.constant 0 : i32
    %dma_start3A_22 = tpu.memref_slice %arg6[%dma_start3A_18, %dma_start3A_20, %dma_start3A_21] : memref<7x128x64xf32, #tpu.memory_space<vmem>> -> memref<1x128x64xf32, #tpu.memory_space<vmem>>
    %dma_start3A_23 = tpu.memref_squeeze %dma_start3A_22 : memref<1x128x64xf32, #tpu.memory_space<vmem>> -> memref<128x64xf32, #tpu.memory_space<vmem>>
    %dma_start3A_24 = arith.constant 0 : i32
    %dma_start3A_25 = tpu.memref_slice %arg5[%dma_start3A_17, %dma_start3A_24] : memref<200x128xi32, #tpu.memory_space<vmem>> -> memref<1x128xi32, #tpu.memory_space<vmem>>
    %dma_start3A_26 = tpu.memref_squeeze %dma_start3A_25 : memref<1x128xi32, #tpu.memory_space<vmem>> -> memref<128xi32, #tpu.memory_space<vmem>>
    %dma_start3A_27 = arith.constant 0 : i32
    %dma_start3A_28 = arith.constant 0 : i32
    %dma_start3A_29 = tpu.memref_slice %arg3[%dma_start3A_27, %dma_start3A_28] : memref<2000000x64xf32, #tpu.memory_space<hbm>> -> memref<2000000x64xf32, #tpu.memory_space<hbm>>
    %dma_start3A_30 = tpu.memref_slice %arg7[%dma_start3A_19] : memref<7x!tpu.dma_semaphore, #tpu.memory_space<semaphore_mem>> -> memref<1x!tpu.dma_semaphore, #tpu.memory_space<semaphore_mem>>
    %dma_start3A_31 = tpu.memref_squeeze %dma_start3A_30 : memref<1x!tpu.dma_semaphore, #tpu.memory_space<semaphore_mem>> -> memref<!tpu.dma_semaphore, #tpu.memory_space<semaphore_mem>>
    tpu.enqueue_indirect_dma source(%dma_start3A_29 : memref<2000000x64xf32, #tpu.memory_space<hbm>>) target(%dma_start3A_23 : memref<128x64xf32, #tpu.memory_space<vmem>>) offsets(%dma_start3A_26 : memref<128xi32, #tpu.memory_space<vmem>>) semaphore(%dma_start3A_31 : memref<!tpu.dma_semaphore, #tpu.memory_space<semaphore_mem>>)
    %dma_start3A_32 = arith.constant 2 : i32
    %dma_start3A_33 = arith.constant 2 : i32
    %dma_start3A_34 = arith.constant 2 : i32
    %dma_start3A_35 = arith.constant 0 : i32
    %dma_start3A_36 = arith.constant 0 : i32
    %dma_start3A_37 = tpu.memref_slice %arg6[%dma_start3A_33, %dma_start3A_35, %dma_start3A_36] : memref<7x128x64xf32, #tpu.memory_space<vmem>> -> memref<1x128x64xf32, #tpu.memory_space<vmem>>
    %dma_start3A_38 = tpu.memref_squeeze %dma_start3A_37 : memref<1x128x64xf32, #tpu.memory_space<vmem>> -> memref<128x64xf32, #tpu.memory_space<vmem>>
    %dma_start3A_39 = arith.constant 0 : i32
    %dma_start3A_40 = tpu.memref_slice %arg5[%dma_start3A_32, %dma_start3A_39] : memref<200x128xi32, #tpu.memory_space<vmem>> -> memref<1x128xi32, #tpu.memory_space<vmem>>
    %dma_start3A_41 = tpu.memref_squeeze %dma_start3A_40 : memref<1x128xi32, #tpu.memory_space<vmem>> -> memref<128xi32, #tpu.memory_space<vmem>>
    %dma_start3A_42 = arith.constant 0 : i32
    %dma_start3A_43 = arith.constant 0 : i32
    %dma_start3A_44 = tpu.memref_slice %arg3[%dma_start3A_42, %dma_start3A_43] : memref<2000000x64xf32, #tpu.memory_space<hbm>> -> memref<2000000x64xf32, #tpu.memory_space<hbm>>
    %dma_start3A_45 = tpu.memref_slice %arg7[%dma_start3A_34] : memref<7x!tpu.dma_semaphore, #tpu.memory_space<semaphore_mem>> -> memref<1x!tpu.dma_semaphore, #tpu.memory_space<semaphore_mem>>
    %dma_start3A_46 = tpu.memref_squeeze %dma_start3A_45 : memref<1x!tpu.dma_semaphore, #tpu.memory_space<semaphore_mem>> -> memref<!tpu.dma_semaphore, #tpu.memory_space<semaphore_mem>>
    tpu.enqueue_indirect_dma source(%dma_start3A_44 : memref<2000000x64xf32, #tpu.memory_space<hbm>>) target(%dma_start3A_38 : memref<128x64xf32, #tpu.memory_space<vmem>>) offsets(%dma_start3A_41 : memref<128xi32, #tpu.memory_space<vmem>>) semaphore(%dma_start3A_46 : memref<!tpu.dma_semaphore, #tpu.memory_space<semaphore_mem>>)
    %dma_start3A_47 = arith.constant 3 : i32
    %dma_start3A_48 = arith.constant 3 : i32
    %dma_start3A_49 = arith.constant 3 : i32
    %dma_start3A_50 = arith.constant 0 : i32
    %dma_start3A_51 = arith.constant 0 : i32
    %dma_start3A_52 = tpu.memref_slice %arg6[%dma_start3A_48, %dma_start3A_50, %dma_start3A_51] : memref<7x128x64xf32, #tpu.memory_space<vmem>> -> memref<1x128x64xf32, #tpu.memory_space<vmem>>
    %dma_start3A_53 = tpu.memref_squeeze %dma_start3A_52 : memref<1x128x64xf32, #tpu.memory_space<vmem>> -> memref<128x64xf32, #tpu.memory_space<vmem>>
    %dma_start3A_54 = arith.constant 0 : i32
    %dma_start3A_55 = tpu.memref_slice %arg5[%dma_start3A_47, %dma_start3A_54] : memref<200x128xi32, #tpu.memory_space<vmem>> -> memref<1x128xi32, #tpu.memory_space<vmem>>
    %dma_start3A_56 = tpu.memref_squeeze %dma_start3A_55 : memref<1x128xi32, #tpu.memory_space<vmem>> -> memref<128xi32, #tpu.memory_space<vmem>>
    %dma_start3A_57 = arith.constant 0 : i32
    %dma_start3A_58 = arith.constant 0 : i32
    %dma_start3A_59 = tpu.memref_slice %arg3[%dma_start3A_57, %dma_start3A_58] : memref<2000000x64xf32, #tpu.memory_space<hbm>> -> memref<2000000x64xf32, #tpu.memory_space<hbm>>
    %dma_start3A_60 = tpu.memref_slice %arg7[%dma_start3A_49] : memref<7x!tpu.dma_semaphore, #tpu.memory_space<semaphore_mem>> -> memref<1x!tpu.dma_semaphore, #tpu.memory_space<semaphore_mem>>
    %dma_start3A_61 = tpu.memref_squeeze %dma_start3A_60 : memref<1x!tpu.dma_semaphore, #tpu.memory_space<semaphore_mem>> -> memref<!tpu.dma_semaphore, #tpu.memory_space<semaphore_mem>>
    tpu.enqueue_indirect_dma source(%dma_start3A_59 : memref<2000000x64xf32, #tpu.memory_space<hbm>>) target(%dma_start3A_53 : memref<128x64xf32, #tpu.memory_space<vmem>>) offsets(%dma_start3A_56 : memref<128xi32, #tpu.memory_space<vmem>>) semaphore(%dma_start3A_61 : memref<!tpu.dma_semaphore, #tpu.memory_space<semaphore_mem>>)
    %scan3A = arith.constant 0 : i32
    %scan3A_62 = arith.constant 0 : i32
    %scan3A_63 = arith.constant 200 : i32
    %scan3A_64 = arith.addi %scan3A_62, %scan3A_63 : i32
    %scan3A_65 = arith.constant 1 : i32
    scf.for %scan3A_394 = %scan3A_62 to %scan3A_64 step %scan3A_65  : i32 {
      %add3A_395 = arith.constant 4 : i32
      %add3A_396 = arith.addi %scan3A_394, %add3A_395 : i32
      %lt3A = arith.constant 200 : i32
      %lt3A_397 = arith.cmpi slt, %add3A_396, %lt3A : i32
      %convert_element_type3A = arith.extui %lt3A_397 : i1 to i32
      %cond3A = arith.constant 0 : i32
      %cond3A_398 = arith.cmpi ne, %convert_element_type3A, %cond3A : i32
      scf.if %cond3A_398 {
        %rem3A_458 = arith.constant 7 : i32
        %rem3A_459 = arith.remsi %add3A_396, %rem3A_458 : i32
        %ge3A = arith.constant 7 : i32
        %ge3A_460 = arith.cmpi sge, %add3A_396, %ge3A : i32
        %convert_element_type3A_461 = arith.extui %ge3A_460 : i1 to i32
        %cond3A_462 = arith.constant 0 : i32
        %cond3A_463 = arith.cmpi ne, %convert_element_type3A_461, %cond3A_462 : i32
        scf.if %cond3A_463 {
          %sub3A_476 = arith.constant 7 : i32
          %sub3A_477 = arith.subi %add3A_396, %sub3A_476 : i32
          %add3A_478 = arith.addi %mul3A_2, %sub3A_477 : i32
          %jit3A_479 = arith.constant 32 : i32
          %div3A_480 = arith.divsi %add3A_478, %jit3A_479 : i32
          %sign3A_481 = arith.constant 0 : i32
          %sign3A_482 = arith.cmpi sgt, %add3A_478, %sign3A_481 : i32
          %sign3A_483 = arith.extui %sign3A_482 : i1 to i32
          %sign3A_484 = arith.constant 0 : i32
          %sign3A_485 = arith.cmpi slt, %add3A_478, %sign3A_484 : i32
          %sign3A_486 = arith.extui %sign3A_485 : i1 to i32
          %sign3A_487 = arith.subi %sign3A_483, %sign3A_486 : i32
          %sign3A_488 = arith.constant 0 : i32
          %sign3A_489 = arith.cmpi sgt, %jit3A_479, %sign3A_488 : i32
          %sign3A_490 = arith.extui %sign3A_489 : i1 to i32
          %sign3A_491 = arith.constant 0 : i32
          %sign3A_492 = arith.cmpi slt, %jit3A_479, %sign3A_491 : i32
          %sign3A_493 = arith.extui %sign3A_492 : i1 to i32
          %sign3A_494 = arith.subi %sign3A_490, %sign3A_493 : i32
          %ne3A_495 = arith.cmpi ne, %sign3A_487, %sign3A_494 : i32
          %rem3A_496 = arith.remsi %add3A_478, %jit3A_479 : i32
          %ne3A_497 = arith.constant 0 : i32
          %ne3A_498 = arith.cmpi ne, %rem3A_496, %ne3A_497 : i32
          %and3A_499 = arith.andi %ne3A_495, %ne3A_498 : i1
          %sub3A_500 = arith.constant 1 : i32
          %sub3A_501 = arith.subi %div3A_480, %sub3A_500 : i32
          %select_n3A_502 = arith.select %and3A_499, %sub3A_501, %div3A_480 : i32
          %rem3A_503 = arith.constant 32 : i32
          %rem3A_504 = arith.remsi %add3A_478, %rem3A_503 : i32
          %dma_wait3A_505 = arith.constant 0 : i32
          %dma_wait3A_506 = arith.constant 0 : i32
          %dma_wait3A_507 = tpu.memref_slice %arg6[%rem3A_459, %dma_wait3A_505, %dma_wait3A_506] : memref<7x128x64xf32, #tpu.memory_space<vmem>> -> memref<1x128x64xf32, #tpu.memory_space<vmem>>
          %dma_wait3A_508 = tpu.memref_squeeze %dma_wait3A_507 : memref<1x128x64xf32, #tpu.memory_space<vmem>> -> memref<128x64xf32, #tpu.memory_space<vmem>>
          %dma_wait3A_509 = arith.constant 0 : i32
          %dma_wait3A_510 = arith.constant 0 : i32
          %dma_wait3A_511 = tpu.memref_slice %arg4[%select_n3A_502, %rem3A_504, %dma_wait3A_509, %dma_wait3A_510] : memref<200x32x128x128xf32, #tpu.memory_space<hbm>> -> memref<1x1x128x64xf32, #tpu.memory_space<hbm>>
          %dma_wait3A_512 = tpu.memref_squeeze %dma_wait3A_511 : memref<1x1x128x64xf32, #tpu.memory_space<hbm>> -> memref<128x64xf32, #tpu.memory_space<hbm>>
          %dma_wait3A_513 = tpu.memref_slice %arg8[%rem3A_459] : memref<7x!tpu.dma_semaphore, #tpu.memory_space<semaphore_mem>> -> memref<1x!tpu.dma_semaphore, #tpu.memory_space<semaphore_mem>>
          %dma_wait3A_514 = tpu.memref_squeeze %dma_wait3A_513 : memref<1x!tpu.dma_semaphore, #tpu.memory_space<semaphore_mem>> -> memref<!tpu.dma_semaphore, #tpu.memory_space<semaphore_mem>>
          %dma_wait3A_515 = arith.constant 0 : i32
          %dma_wait3A_516 = arith.constant 0 : i32
          %dma_wait3A_517 = tpu.memref_slice %arg4[%select_n3A_502, %rem3A_504, %dma_wait3A_515, %dma_wait3A_516] : memref<200x32x128x128xf32, #tpu.memory_space<hbm>> -> memref<1x1x128x64xf32, #tpu.memory_space<hbm>>
          %dma_wait3A_518 = tpu.memref_squeeze %dma_wait3A_517 : memref<1x1x128x64xf32, #tpu.memory_space<hbm>> -> memref<128x64xf32, #tpu.memory_space<hbm>>
          %dma_wait3A_519 = arith.constant 0 : i32
          %dma_wait3A_520 = arith.constant 0 : i32
          %dma_wait3A_521 = tpu.memref_slice %arg6[%rem3A_459, %dma_wait3A_519, %dma_wait3A_520] : memref<7x128x64xf32, #tpu.memory_space<vmem>> -> memref<1x128x64xf32, #tpu.memory_space<vmem>>
          %dma_wait3A_522 = tpu.memref_squeeze %dma_wait3A_521 : memref<1x128x64xf32, #tpu.memory_space<vmem>> -> memref<128x64xf32, #tpu.memory_space<vmem>>
          tpu.wait_dma2 semaphore(%dma_wait3A_514 : memref<!tpu.dma_semaphore, #tpu.memory_space<semaphore_mem>>) src(%dma_wait3A_522 : memref<128x64xf32, #tpu.memory_space<vmem>>) dst(%dma_wait3A_518 : memref<128x64xf32, #tpu.memory_space<hbm>>)
        } else {
        }
        %dma_start3A_464 = arith.constant 0 : i32
        %dma_start3A_465 = arith.constant 0 : i32
        %dma_start3A_466 = tpu.memref_slice %arg6[%rem3A_459, %dma_start3A_464, %dma_start3A_465] : memref<7x128x64xf32, #tpu.memory_space<vmem>> -> memref<1x128x64xf32, #tpu.memory_space<vmem>>
        %dma_start3A_467 = tpu.memref_squeeze %dma_start3A_466 : memref<1x128x64xf32, #tpu.memory_space<vmem>> -> memref<128x64xf32, #tpu.memory_space<vmem>>
        %dma_start3A_468 = arith.constant 0 : i32
        %dma_start3A_469 = tpu.memref_slice %arg5[%add3A_396, %dma_start3A_468] : memref<200x128xi32, #tpu.memory_space<vmem>> -> memref<1x128xi32, #tpu.memory_space<vmem>>
        %dma_start3A_470 = tpu.memref_squeeze %dma_start3A_469 : memref<1x128xi32, #tpu.memory_space<vmem>> -> memref<128xi32, #tpu.memory_space<vmem>>
        %dma_start3A_471 = arith.constant 0 : i32
        %dma_start3A_472 = arith.constant 0 : i32
        %dma_start3A_473 = tpu.memref_slice %arg3[%dma_start3A_471, %dma_start3A_472] : memref<2000000x64xf32, #tpu.memory_space<hbm>> -> memref<2000000x64xf32, #tpu.memory_space<hbm>>
        %dma_start3A_474 = tpu.memref_slice %arg7[%rem3A_459] : memref<7x!tpu.dma_semaphore, #tpu.memory_space<semaphore_mem>> -> memref<1x!tpu.dma_semaphore, #tpu.memory_space<semaphore_mem>>
        %dma_start3A_475 = tpu.memref_squeeze %dma_start3A_474 : memref<1x!tpu.dma_semaphore, #tpu.memory_space<semaphore_mem>> -> memref<!tpu.dma_semaphore, #tpu.memory_space<semaphore_mem>>
        tpu.enqueue_indirect_dma source(%dma_start3A_473 : memref<2000000x64xf32, #tpu.memory_space<hbm>>) target(%dma_start3A_467 : memref<128x64xf32, #tpu.memory_space<vmem>>) offsets(%dma_start3A_470 : memref<128xi32, #tpu.memory_space<vmem>>) semaphore(%dma_start3A_475 : memref<!tpu.dma_semaphore, #tpu.memory_space<semaphore_mem>>)
      } else {
      }
      %rem3A_399 = arith.constant 7 : i32
      %rem3A_400 = arith.remsi %scan3A_394, %rem3A_399 : i32
      %dma_wait3A_401 = arith.constant 0 : i32
      %dma_wait3A_402 = arith.constant 0 : i32
      %dma_wait3A_403 = tpu.memref_slice %arg6[%rem3A_400, %dma_wait3A_401, %dma_wait3A_402] : memref<7x128x64xf32, #tpu.memory_space<vmem>> -> memref<1x128x64xf32, #tpu.memory_space<vmem>>
      %dma_wait3A_404 = tpu.memref_squeeze %dma_wait3A_403 : memref<1x128x64xf32, #tpu.memory_space<vmem>> -> memref<128x64xf32, #tpu.memory_space<vmem>>
      %dma_wait3A_405 = arith.constant 0 : i32
      %dma_wait3A_406 = tpu.memref_slice %arg5[%scan3A_394, %dma_wait3A_405] : memref<200x128xi32, #tpu.memory_space<vmem>> -> memref<1x128xi32, #tpu.memory_space<vmem>>
      %dma_wait3A_407 = tpu.memref_squeeze %dma_wait3A_406 : memref<1x128xi32, #tpu.memory_space<vmem>> -> memref<128xi32, #tpu.memory_space<vmem>>
      %dma_wait3A_408 = arith.constant 0 : i32
      %dma_wait3A_409 = arith.constant 0 : i32
      %dma_wait3A_410 = tpu.memref_slice %arg3[%dma_wait3A_408, %dma_wait3A_409] : memref<2000000x64xf32, #tpu.memory_space<hbm>> -> memref<2000000x64xf32, #tpu.memory_space<hbm>>
      %dma_wait3A_411 = tpu.memref_slice %arg7[%rem3A_400] : memref<7x!tpu.dma_semaphore, #tpu.memory_space<semaphore_mem>> -> memref<1x!tpu.dma_semaphore, #tpu.memory_space<semaphore_mem>>
      %dma_wait3A_412 = tpu.memref_squeeze %dma_wait3A_411 : memref<1x!tpu.dma_semaphore, #tpu.memory_space<semaphore_mem>> -> memref<!tpu.dma_semaphore, #tpu.memory_space<semaphore_mem>>
      tpu.wait_indirect_dma semaphore(%dma_wait3A_412 : memref<!tpu.dma_semaphore, #tpu.memory_space<semaphore_mem>>) src(%dma_wait3A_410 : memref<2000000x64xf32, #tpu.memory_space<hbm>>) dst(%dma_wait3A_404 : memref<128x64xf32, #tpu.memory_space<vmem>>)
      %add3A_413 = arith.addi %mul3A_2, %scan3A_394 : i32
      %jit3A_414 = arith.constant 32 : i32
      %div3A_415 = arith.divsi %add3A_413, %jit3A_414 : i32
      %sign3A_416 = arith.constant 0 : i32
      %sign3A_417 = arith.cmpi sgt, %add3A_413, %sign3A_416 : i32
      %sign3A_418 = arith.extui %sign3A_417 : i1 to i32
      %sign3A_419 = arith.constant 0 : i32
      %sign3A_420 = arith.cmpi slt, %add3A_413, %sign3A_419 : i32
      %sign3A_421 = arith.extui %sign3A_420 : i1 to i32
      %sign3A_422 = arith.subi %sign3A_418, %sign3A_421 : i32
      %sign3A_423 = arith.constant 0 : i32
      %sign3A_424 = arith.cmpi sgt, %jit3A_414, %sign3A_423 : i32
      %sign3A_425 = arith.extui %sign3A_424 : i1 to i32
      %sign3A_426 = arith.constant 0 : i32
      %sign3A_427 = arith.cmpi slt, %jit3A_414, %sign3A_426 : i32
      %sign3A_428 = arith.extui %sign3A_427 : i1 to i32
      %sign3A_429 = arith.subi %sign3A_425, %sign3A_428 : i32
      %ne3A_430 = arith.cmpi ne, %sign3A_422, %sign3A_429 : i32
      %rem3A_431 = arith.remsi %add3A_413, %jit3A_414 : i32
      %ne3A_432 = arith.constant 0 : i32
      %ne3A_433 = arith.cmpi ne, %rem3A_431, %ne3A_432 : i32
      %and3A_434 = arith.andi %ne3A_430, %ne3A_433 : i1
      %sub3A_435 = arith.constant 1 : i32
      %sub3A_436 = arith.subi %div3A_415, %sub3A_435 : i32
      %select_n3A_437 = arith.select %and3A_434, %sub3A_436, %div3A_415 : i32
      %rem3A_438 = arith.constant 32 : i32
      %rem3A_439 = arith.remsi %add3A_413, %rem3A_438 : i32
      %dma_start3A_440 = arith.constant 0 : i32
      %dma_start3A_441 = arith.constant 0 : i32
      %dma_start3A_442 = tpu.memref_slice %arg6[%rem3A_400, %dma_start3A_440, %dma_start3A_441] : memref<7x128x64xf32, #tpu.memory_space<vmem>> -> memref<1x128x64xf32, #tpu.memory_space<vmem>>
      %dma_start3A_443 = tpu.memref_squeeze %dma_start3A_442 : memref<1x128x64xf32, #tpu.memory_space<vmem>> -> memref<128x64xf32, #tpu.memory_space<vmem>>
      %dma_start3A_444 = arith.constant 0 : i32
      %dma_start3A_445 = arith.constant 0 : i32
      %dma_start3A_446 = tpu.memref_slice %arg4[%select_n3A_437, %rem3A_439, %dma_start3A_444, %dma_start3A_445] : memref<200x32x128x128xf32, #tpu.memory_space<hbm>> -> memref<1x1x128x64xf32, #tpu.memory_space<hbm>>
      %dma_start3A_447 = tpu.memref_squeeze %dma_start3A_446 : memref<1x1x128x64xf32, #tpu.memory_space<hbm>> -> memref<128x64xf32, #tpu.memory_space<hbm>>
      %dma_start3A_448 = tpu.memref_slice %arg8[%rem3A_400] : memref<7x!tpu.dma_semaphore, #tpu.memory_space<semaphore_mem>> -> memref<1x!tpu.dma_semaphore, #tpu.memory_space<semaphore_mem>>
      %dma_start3A_449 = tpu.memref_squeeze %dma_start3A_448 : memref<1x!tpu.dma_semaphore, #tpu.memory_space<semaphore_mem>> -> memref<!tpu.dma_semaphore, #tpu.memory_space<semaphore_mem>>
      %dma_start3A_450 = arith.constant 0 : i32
      %dma_start3A_451 = arith.constant 0 : i32
      %dma_start3A_452 = tpu.memref_slice %arg4[%select_n3A_437, %rem3A_439, %dma_start3A_450, %dma_start3A_451] : memref<200x32x128x128xf32, #tpu.memory_space<hbm>> -> memref<1x1x128x64xf32, #tpu.memory_space<hbm>>
      %dma_start3A_453 = tpu.memref_squeeze %dma_start3A_452 : memref<1x1x128x64xf32, #tpu.memory_space<hbm>> -> memref<128x64xf32, #tpu.memory_space<hbm>>
      %dma_start3A_454 = arith.constant 0 : i32
      %dma_start3A_455 = arith.constant 0 : i32
      %dma_start3A_456 = tpu.memref_slice %arg6[%rem3A_400, %dma_start3A_454, %dma_start3A_455] : memref<7x128x64xf32, #tpu.memory_space<vmem>> -> memref<1x128x64xf32, #tpu.memory_space<vmem>>
      %dma_start3A_457 = tpu.memref_squeeze %dma_start3A_456 : memref<1x128x64xf32, #tpu.memory_space<vmem>> -> memref<128x64xf32, #tpu.memory_space<vmem>>
      tpu.enqueue_dma source(%dma_start3A_457 : memref<128x64xf32, #tpu.memory_space<vmem>>) target(%dma_start3A_453 : memref<128x64xf32, #tpu.memory_space<hbm>>) target_semaphore(%dma_start3A_449 : memref<!tpu.dma_semaphore, #tpu.memory_space<semaphore_mem>>)
    }
    %scan3A_66 = arith.constant 200 : i32
    %add3A_67 = arith.constant 193 : i32
    %add3A_68 = arith.addi %mul3A_2, %add3A_67 : i32
    %jit3A = arith.constant 32 : i32
    %div3A = arith.divsi %add3A_68, %jit3A : i32
    %sign3A = arith.constant 0 : i32
    %sign3A_69 = arith.cmpi sgt, %add3A_68, %sign3A : i32
    %sign3A_70 = arith.extui %sign3A_69 : i1 to i32
    %sign3A_71 = arith.constant 0 : i32
    %sign3A_72 = arith.cmpi slt, %add3A_68, %sign3A_71 : i32
    %sign3A_73 = arith.extui %sign3A_72 : i1 to i32
    %sign3A_74 = arith.subi %sign3A_70, %sign3A_73 : i32
    %sign3A_75 = arith.constant 0 : i32
    %sign3A_76 = arith.cmpi sgt, %jit3A, %sign3A_75 : i32
    %sign3A_77 = arith.extui %sign3A_76 : i1 to i32
    %sign3A_78 = arith.constant 0 : i32
    %sign3A_79 = arith.cmpi slt, %jit3A, %sign3A_78 : i32
    %sign3A_80 = arith.extui %sign3A_79 : i1 to i32
    %sign3A_81 = arith.subi %sign3A_77, %sign3A_80 : i32
    %ne3A = arith.cmpi ne, %sign3A_74, %sign3A_81 : i32
    %rem3A = arith.remsi %add3A_68, %jit3A : i32
    %ne3A_82 = arith.constant 0 : i32
    %ne3A_83 = arith.cmpi ne, %rem3A, %ne3A_82 : i32
    %and3A = arith.andi %ne3A, %ne3A_83 : i1
    %sub3A = arith.constant 1 : i32
    %sub3A_84 = arith.subi %div3A, %sub3A : i32
    %select_n3A = arith.select %and3A, %sub3A_84, %div3A : i32
    %rem3A_85 = arith.constant 32 : i32
    %rem3A_86 = arith.remsi %add3A_68, %rem3A_85 : i32
    %dma_wait3A = arith.constant 4 : i32
    %dma_wait3A_87 = arith.constant 4 : i32
    %dma_wait3A_88 = arith.constant 0 : i32
    %dma_wait3A_89 = arith.constant 0 : i32
    %dma_wait3A_90 = tpu.memref_slice %arg6[%dma_wait3A, %dma_wait3A_88, %dma_wait3A_89] : memref<7x128x64xf32, #tpu.memory_space<vmem>> -> memref<1x128x64xf32, #tpu.memory_space<vmem>>
    %dma_wait3A_91 = tpu.memref_squeeze %dma_wait3A_90 : memref<1x128x64xf32, #tpu.memory_space<vmem>> -> memref<128x64xf32, #tpu.memory_space<vmem>>
    %dma_wait3A_92 = arith.constant 0 : i32
    %dma_wait3A_93 = arith.constant 0 : i32
    %dma_wait3A_94 = tpu.memref_slice %arg4[%select_n3A, %rem3A_86, %dma_wait3A_92, %dma_wait3A_93] : memref<200x32x128x128xf32, #tpu.memory_space<hbm>> -> memref<1x1x128x64xf32, #tpu.memory_space<hbm>>
    %dma_wait3A_95 = tpu.memref_squeeze %dma_wait3A_94 : memref<1x1x128x64xf32, #tpu.memory_space<hbm>> -> memref<128x64xf32, #tpu.memory_space<hbm>>
    %dma_wait3A_96 = tpu.memref_slice %arg8[%dma_wait3A_87] : memref<7x!tpu.dma_semaphore, #tpu.memory_space<semaphore_mem>> -> memref<1x!tpu.dma_semaphore, #tpu.memory_space<semaphore_mem>>
    %dma_wait3A_97 = tpu.memref_squeeze %dma_wait3A_96 : memref<1x!tpu.dma_semaphore, #tpu.memory_space<semaphore_mem>> -> memref<!tpu.dma_semaphore, #tpu.memory_space<semaphore_mem>>
    %dma_wait3A_98 = arith.constant 0 : i32
    %dma_wait3A_99 = arith.constant 0 : i32
    %dma_wait3A_100 = tpu.memref_slice %arg4[%select_n3A, %rem3A_86, %dma_wait3A_98, %dma_wait3A_99] : memref<200x32x128x128xf32, #tpu.memory_space<hbm>> -> memref<1x1x128x64xf32, #tpu.memory_space<hbm>>
    %dma_wait3A_101 = tpu.memref_squeeze %dma_wait3A_100 : memref<1x1x128x64xf32, #tpu.memory_space<hbm>> -> memref<128x64xf32, #tpu.memory_space<hbm>>
    %dma_wait3A_102 = arith.constant 0 : i32
    %dma_wait3A_103 = arith.constant 0 : i32
    %dma_wait3A_104 = tpu.memref_slice %arg6[%dma_wait3A, %dma_wait3A_102, %dma_wait3A_103] : memref<7x128x64xf32, #tpu.memory_space<vmem>> -> memref<1x128x64xf32, #tpu.memory_space<vmem>>
    %dma_wait3A_105 = tpu.memref_squeeze %dma_wait3A_104 : memref<1x128x64xf32, #tpu.memory_space<vmem>> -> memref<128x64xf32, #tpu.memory_space<vmem>>
    tpu.wait_dma2 semaphore(%dma_wait3A_97 : memref<!tpu.dma_semaphore, #tpu.memory_space<semaphore_mem>>) src(%dma_wait3A_105 : memref<128x64xf32, #tpu.memory_space<vmem>>) dst(%dma_wait3A_101 : memref<128x64xf32, #tpu.memory_space<hbm>>)
    %add3A_106 = arith.constant 194 : i32
    %add3A_107 = arith.addi %mul3A_2, %add3A_106 : i32
    %jit3A_108 = arith.constant 32 : i32
    %div3A_109 = arith.divsi %add3A_107, %jit3A_108 : i32
    %sign3A_110 = arith.constant 0 : i32
    %sign3A_111 = arith.cmpi sgt, %add3A_107, %sign3A_110 : i32
    %sign3A_112 = arith.extui %sign3A_111 : i1 to i32
    %sign3A_113 = arith.constant 0 : i32
    %sign3A_114 = arith.cmpi slt, %add3A_107, %sign3A_113 : i32
    %sign3A_115 = arith.extui %sign3A_114 : i1 to i32
    %sign3A_116 = arith.subi %sign3A_112, %sign3A_115 : i32
    %sign3A_117 = arith.constant 0 : i32
    %sign3A_118 = arith.cmpi sgt, %jit3A_108, %sign3A_117 : i32
    %sign3A_119 = arith.extui %sign3A_118 : i1 to i32
    %sign3A_120 = arith.constant 0 : i32
    %sign3A_121 = arith.cmpi slt, %jit3A_108, %sign3A_120 : i32
    %sign3A_122 = arith.extui %sign3A_121 : i1 to i32
    %sign3A_123 = arith.subi %sign3A_119, %sign3A_122 : i32
    %ne3A_124 = arith.cmpi ne, %sign3A_116, %sign3A_123 : i32
    %rem3A_125 = arith.remsi %add3A_107, %jit3A_108 : i32
    %ne3A_126 = arith.constant 0 : i32
    %ne3A_127 = arith.cmpi ne, %rem3A_125, %ne3A_126 : i32
    %and3A_128 = arith.andi %ne3A_124, %ne3A_127 : i1
    %sub3A_129 = arith.constant 1 : i32
    %sub3A_130 = arith.subi %div3A_109, %sub3A_129 : i32
    %select_n3A_131 = arith.select %and3A_128, %sub3A_130, %div3A_109 : i32
    %rem3A_132 = arith.constant 32 : i32
    %rem3A_133 = arith.remsi %add3A_107, %rem3A_132 : i32
    %dma_wait3A_134 = arith.constant 5 : i32
    %dma_wait3A_135 = arith.constant 5 : i32
    %dma_wait3A_136 = arith.constant 0 : i32
    %dma_wait3A_137 = arith.constant 0 : i32
    %dma_wait3A_138 = tpu.memref_slice %arg6[%dma_wait3A_134, %dma_wait3A_136, %dma_wait3A_137] : memref<7x128x64xf32, #tpu.memory_space<vmem>> -> memref<1x128x64xf32, #tpu.memory_space<vmem>>
    %dma_wait3A_139 = tpu.memref_squeeze %dma_wait3A_138 : memref<1x128x64xf32, #tpu.memory_space<vmem>> -> memref<128x64xf32, #tpu.memory_space<vmem>>
    %dma_wait3A_140 = arith.constant 0 : i32
    %dma_wait3A_141 = arith.constant 0 : i32
    %dma_wait3A_142 = tpu.memref_slice %arg4[%select_n3A_131, %rem3A_133, %dma_wait3A_140, %dma_wait3A_141] : memref<200x32x128x128xf32, #tpu.memory_space<hbm>> -> memref<1x1x128x64xf32, #tpu.memory_space<hbm>>
    %dma_wait3A_143 = tpu.memref_squeeze %dma_wait3A_142 : memref<1x1x128x64xf32, #tpu.memory_space<hbm>> -> memref<128x64xf32, #tpu.memory_space<hbm>>
    %dma_wait3A_144 = tpu.memref_slice %arg8[%dma_wait3A_135] : memref<7x!tpu.dma_semaphore, #tpu.memory_space<semaphore_mem>> -> memref<1x!tpu.dma_semaphore, #tpu.memory_space<semaphore_mem>>
    %dma_wait3A_145 = tpu.memref_squeeze %dma_wait3A_144 : memref<1x!tpu.dma_semaphore, #tpu.memory_space<semaphore_mem>> -> memref<!tpu.dma_semaphore, #tpu.memory_space<semaphore_mem>>
    %dma_wait3A_146 = arith.constant 0 : i32
    %dma_wait3A_147 = arith.constant 0 : i32
    %dma_wait3A_148 = tpu.memref_slice %arg4[%select_n3A_131, %rem3A_133, %dma_wait3A_146, %dma_wait3A_147] : memref<200x32x128x128xf32, #tpu.memory_space<hbm>> -> memref<1x1x128x64xf32, #tpu.memory_space<hbm>>
    %dma_wait3A_149 = tpu.memref_squeeze %dma_wait3A_148 : memref<1x1x128x64xf32, #tpu.memory_space<hbm>> -> memref<128x64xf32, #tpu.memory_space<hbm>>
    %dma_wait3A_150 = arith.constant 0 : i32
    %dma_wait3A_151 = arith.constant 0 : i32
    %dma_wait3A_152 = tpu.memref_slice %arg6[%dma_wait3A_134, %dma_wait3A_150, %dma_wait3A_151] : memref<7x128x64xf32, #tpu.memory_space<vmem>> -> memref<1x128x64xf32, #tpu.memory_space<vmem>>
    %dma_wait3A_153 = tpu.memref_squeeze %dma_wait3A_152 : memref<1x128x64xf32, #tpu.memory_space<vmem>> -> memref<128x64xf32, #tpu.memory_space<vmem>>
    tpu.wait_dma2 semaphore(%dma_wait3A_145 : memref<!tpu.dma_semaphore, #tpu.memory_space<semaphore_mem>>) src(%dma_wait3A_153 : memref<128x64xf32, #tpu.memory_space<vmem>>) dst(%dma_wait3A_149 : memref<128x64xf32, #tpu.memory_space<hbm>>)
    %add3A_154 = arith.constant 195 : i32
    %add3A_155 = arith.addi %mul3A_2, %add3A_154 : i32
    %jit3A_156 = arith.constant 32 : i32
    %div3A_157 = arith.divsi %add3A_155, %jit3A_156 : i32
    %sign3A_158 = arith.constant 0 : i32
    %sign3A_159 = arith.cmpi sgt, %add3A_155, %sign3A_158 : i32
    %sign3A_160 = arith.extui %sign3A_159 : i1 to i32
    %sign3A_161 = arith.constant 0 : i32
    %sign3A_162 = arith.cmpi slt, %add3A_155, %sign3A_161 : i32
    %sign3A_163 = arith.extui %sign3A_162 : i1 to i32
    %sign3A_164 = arith.subi %sign3A_160, %sign3A_163 : i32
    %sign3A_165 = arith.constant 0 : i32
    %sign3A_166 = arith.cmpi sgt, %jit3A_156, %sign3A_165 : i32
    %sign3A_167 = arith.extui %sign3A_166 : i1 to i32
    %sign3A_168 = arith.constant 0 : i32
    %sign3A_169 = arith.cmpi slt, %jit3A_156, %sign3A_168 : i32
    %sign3A_170 = arith.extui %sign3A_169 : i1 to i32
    %sign3A_171 = arith.subi %sign3A_167, %sign3A_170 : i32
    %ne3A_172 = arith.cmpi ne, %sign3A_164, %sign3A_171 : i32
    %rem3A_173 = arith.remsi %add3A_155, %jit3A_156 : i32
    %ne3A_174 = arith.constant 0 : i32
    %ne3A_175 = arith.cmpi ne, %rem3A_173, %ne3A_174 : i32
    %and3A_176 = arith.andi %ne3A_172, %ne3A_175 : i1
    %sub3A_177 = arith.constant 1 : i32
    %sub3A_178 = arith.subi %div3A_157, %sub3A_177 : i32
    %select_n3A_179 = arith.select %and3A_176, %sub3A_178, %div3A_157 : i32
    %rem3A_180 = arith.constant 32 : i32
    %rem3A_181 = arith.remsi %add3A_155, %rem3A_180 : i32
    %dma_wait3A_182 = arith.constant 6 : i32
    %dma_wait3A_183 = arith.constant 6 : i32
    %dma_wait3A_184 = arith.constant 0 : i32
    %dma_wait3A_185 = arith.constant 0 : i32
    %dma_wait3A_186 = tpu.memref_slice %arg6[%dma_wait3A_182, %dma_wait3A_184, %dma_wait3A_185] : memref<7x128x64xf32, #tpu.memory_space<vmem>> -> memref<1x128x64xf32, #tpu.memory_space<vmem>>
    %dma_wait3A_187 = tpu.memref_squeeze %dma_wait3A_186 : memref<1x128x64xf32, #tpu.memory_space<vmem>> -> memref<128x64xf32, #tpu.memory_space<vmem>>
    %dma_wait3A_188 = arith.constant 0 : i32
    %dma_wait3A_189 = arith.constant 0 : i32
    %dma_wait3A_190 = tpu.memref_slice %arg4[%select_n3A_179, %rem3A_181, %dma_wait3A_188, %dma_wait3A_189] : memref<200x32x128x128xf32, #tpu.memory_space<hbm>> -> memref<1x1x128x64xf32, #tpu.memory_space<hbm>>
    %dma_wait3A_191 = tpu.memref_squeeze %dma_wait3A_190 : memref<1x1x128x64xf32, #tpu.memory_space<hbm>> -> memref<128x64xf32, #tpu.memory_space<hbm>>
    %dma_wait3A_192 = tpu.memref_slice %arg8[%dma_wait3A_183] : memref<7x!tpu.dma_semaphore, #tpu.memory_space<semaphore_mem>> -> memref<1x!tpu.dma_semaphore, #tpu.memory_space<semaphore_mem>>
    %dma_wait3A_193 = tpu.memref_squeeze %dma_wait3A_192 : memref<1x!tpu.dma_semaphore, #tpu.memory_space<semaphore_mem>> -> memref<!tpu.dma_semaphore, #tpu.memory_space<semaphore_mem>>
    %dma_wait3A_194 = arith.constant 0 : i32
    %dma_wait3A_195 = arith.constant 0 : i32
    %dma_wait3A_196 = tpu.memref_slice %arg4[%select_n3A_179, %rem3A_181, %dma_wait3A_194, %dma_wait3A_195] : memref<200x32x128x128xf32, #tpu.memory_space<hbm>> -> memref<1x1x128x64xf32, #tpu.memory_space<hbm>>
    %dma_wait3A_197 = tpu.memref_squeeze %dma_wait3A_196 : memref<1x1x128x64xf32, #tpu.memory_space<hbm>> -> memref<128x64xf32, #tpu.memory_space<hbm>>
    %dma_wait3A_198 = arith.constant 0 : i32
    %dma_wait3A_199 = arith.constant 0 : i32
    %dma_wait3A_200 = tpu.memref_slice %arg6[%dma_wait3A_182, %dma_wait3A_198, %dma_wait3A_199] : memref<7x128x64xf32, #tpu.memory_space<vmem>> -> memref<1x128x64xf32, #tpu.memory_space<vmem>>
    %dma_wait3A_201 = tpu.memref_squeeze %dma_wait3A_200 : memref<1x128x64xf32, #tpu.memory_space<vmem>> -> memref<128x64xf32, #tpu.memory_space<vmem>>
    tpu.wait_dma2 semaphore(%dma_wait3A_193 : memref<!tpu.dma_semaphore, #tpu.memory_space<semaphore_mem>>) src(%dma_wait3A_201 : memref<128x64xf32, #tpu.memory_space<vmem>>) dst(%dma_wait3A_197 : memref<128x64xf32, #tpu.memory_space<hbm>>)
    %add3A_202 = arith.constant 196 : i32
    %add3A_203 = arith.addi %mul3A_2, %add3A_202 : i32
    %jit3A_204 = arith.constant 32 : i32
    %div3A_205 = arith.divsi %add3A_203, %jit3A_204 : i32
    %sign3A_206 = arith.constant 0 : i32
    %sign3A_207 = arith.cmpi sgt, %add3A_203, %sign3A_206 : i32
    %sign3A_208 = arith.extui %sign3A_207 : i1 to i32
    %sign3A_209 = arith.constant 0 : i32
    %sign3A_210 = arith.cmpi slt, %add3A_203, %sign3A_209 : i32
    %sign3A_211 = arith.extui %sign3A_210 : i1 to i32
    %sign3A_212 = arith.subi %sign3A_208, %sign3A_211 : i32
    %sign3A_213 = arith.constant 0 : i32
    %sign3A_214 = arith.cmpi sgt, %jit3A_204, %sign3A_213 : i32
    %sign3A_215 = arith.extui %sign3A_214 : i1 to i32
    %sign3A_216 = arith.constant 0 : i32
    %sign3A_217 = arith.cmpi slt, %jit3A_204, %sign3A_216 : i32
    %sign3A_218 = arith.extui %sign3A_217 : i1 to i32
    %sign3A_219 = arith.subi %sign3A_215, %sign3A_218 : i32
    %ne3A_220 = arith.cmpi ne, %sign3A_212, %sign3A_219 : i32
    %rem3A_221 = arith.remsi %add3A_203, %jit3A_204 : i32
    %ne3A_222 = arith.constant 0 : i32
    %ne3A_223 = arith.cmpi ne, %rem3A_221, %ne3A_222 : i32
    %and3A_224 = arith.andi %ne3A_220, %ne3A_223 : i1
    %sub3A_225 = arith.constant 1 : i32
    %sub3A_226 = arith.subi %div3A_205, %sub3A_225 : i32
    %select_n3A_227 = arith.select %and3A_224, %sub3A_226, %div3A_205 : i32
    %rem3A_228 = arith.constant 32 : i32
    %rem3A_229 = arith.remsi %add3A_203, %rem3A_228 : i32
    %dma_wait3A_230 = arith.constant 0 : i32
    %dma_wait3A_231 = arith.constant 0 : i32
    %dma_wait3A_232 = arith.constant 0 : i32
    %dma_wait3A_233 = arith.constant 0 : i32
    %dma_wait3A_234 = tpu.memref_slice %arg6[%dma_wait3A_230, %dma_wait3A_232, %dma_wait3A_233] : memref<7x128x64xf32, #tpu.memory_space<vmem>> -> memref<1x128x64xf32, #tpu.memory_space<vmem>>
    %dma_wait3A_235 = tpu.memref_squeeze %dma_wait3A_234 : memref<1x128x64xf32, #tpu.memory_space<vmem>> -> memref<128x64xf32, #tpu.memory_space<vmem>>
    %dma_wait3A_236 = arith.constant 0 : i32
    %dma_wait3A_237 = arith.constant 0 : i32
    %dma_wait3A_238 = tpu.memref_slice %arg4[%select_n3A_227, %rem3A_229, %dma_wait3A_236, %dma_wait3A_237] : memref<200x32x128x128xf32, #tpu.memory_space<hbm>> -> memref<1x1x128x64xf32, #tpu.memory_space<hbm>>
    %dma_wait3A_239 = tpu.memref_squeeze %dma_wait3A_238 : memref<1x1x128x64xf32, #tpu.memory_space<hbm>> -> memref<128x64xf32, #tpu.memory_space<hbm>>
    %dma_wait3A_240 = tpu.memref_slice %arg8[%dma_wait3A_231] : memref<7x!tpu.dma_semaphore, #tpu.memory_space<semaphore_mem>> -> memref<1x!tpu.dma_semaphore, #tpu.memory_space<semaphore_mem>>
    %dma_wait3A_241 = tpu.memref_squeeze %dma_wait3A_240 : memref<1x!tpu.dma_semaphore, #tpu.memory_space<semaphore_mem>> -> memref<!tpu.dma_semaphore, #tpu.memory_space<semaphore_mem>>
    %dma_wait3A_242 = arith.constant 0 : i32
    %dma_wait3A_243 = arith.constant 0 : i32
    %dma_wait3A_244 = tpu.memref_slice %arg4[%select_n3A_227, %rem3A_229, %dma_wait3A_242, %dma_wait3A_243] : memref<200x32x128x128xf32, #tpu.memory_space<hbm>> -> memref<1x1x128x64xf32, #tpu.memory_space<hbm>>
    %dma_wait3A_245 = tpu.memref_squeeze %dma_wait3A_244 : memref<1x1x128x64xf32, #tpu.memory_space<hbm>> -> memref<128x64xf32, #tpu.memory_space<hbm>>
    %dma_wait3A_246 = arith.constant 0 : i32
    %dma_wait3A_247 = arith.constant 0 : i32
    %dma_wait3A_248 = tpu.memref_slice %arg6[%dma_wait3A_230, %dma_wait3A_246, %dma_wait3A_247] : memref<7x128x64xf32, #tpu.memory_space<vmem>> -> memref<1x128x64xf32, #tpu.memory_space<vmem>>
    %dma_wait3A_249 = tpu.memref_squeeze %dma_wait3A_248 : memref<1x128x64xf32, #tpu.memory_space<vmem>> -> memref<128x64xf32, #tpu.memory_space<vmem>>
    tpu.wait_dma2 semaphore(%dma_wait3A_241 : memref<!tpu.dma_semaphore, #tpu.memory_space<semaphore_mem>>) src(%dma_wait3A_249 : memref<128x64xf32, #tpu.memory_space<vmem>>) dst(%dma_wait3A_245 : memref<128x64xf32, #tpu.memory_space<hbm>>)
    %add3A_250 = arith.constant 197 : i32
    %add3A_251 = arith.addi %mul3A_2, %add3A_250 : i32
    %jit3A_252 = arith.constant 32 : i32
    %div3A_253 = arith.divsi %add3A_251, %jit3A_252 : i32
    %sign3A_254 = arith.constant 0 : i32
    %sign3A_255 = arith.cmpi sgt, %add3A_251, %sign3A_254 : i32
    %sign3A_256 = arith.extui %sign3A_255 : i1 to i32
    %sign3A_257 = arith.constant 0 : i32
    %sign3A_258 = arith.cmpi slt, %add3A_251, %sign3A_257 : i32
    %sign3A_259 = arith.extui %sign3A_258 : i1 to i32
    %sign3A_260 = arith.subi %sign3A_256, %sign3A_259 : i32
    %sign3A_261 = arith.constant 0 : i32
    %sign3A_262 = arith.cmpi sgt, %jit3A_252, %sign3A_261 : i32
    %sign3A_263 = arith.extui %sign3A_262 : i1 to i32
    %sign3A_264 = arith.constant 0 : i32
    %sign3A_265 = arith.cmpi slt, %jit3A_252, %sign3A_264 : i32
    %sign3A_266 = arith.extui %sign3A_265 : i1 to i32
    %sign3A_267 = arith.subi %sign3A_263, %sign3A_266 : i32
    %ne3A_268 = arith.cmpi ne, %sign3A_260, %sign3A_267 : i32
    %rem3A_269 = arith.remsi %add3A_251, %jit3A_252 : i32
    %ne3A_270 = arith.constant 0 : i32
    %ne3A_271 = arith.cmpi ne, %rem3A_269, %ne3A_270 : i32
    %and3A_272 = arith.andi %ne3A_268, %ne3A_271 : i1
    %sub3A_273 = arith.constant 1 : i32
    %sub3A_274 = arith.subi %div3A_253, %sub3A_273 : i32
    %select_n3A_275 = arith.select %and3A_272, %sub3A_274, %div3A_253 : i32
    %rem3A_276 = arith.constant 32 : i32
    %rem3A_277 = arith.remsi %add3A_251, %rem3A_276 : i32
    %dma_wait3A_278 = arith.constant 1 : i32
    %dma_wait3A_279 = arith.constant 1 : i32
    %dma_wait3A_280 = arith.constant 0 : i32
    %dma_wait3A_281 = arith.constant 0 : i32
    %dma_wait3A_282 = tpu.memref_slice %arg6[%dma_wait3A_278, %dma_wait3A_280, %dma_wait3A_281] : memref<7x128x64xf32, #tpu.memory_space<vmem>> -> memref<1x128x64xf32, #tpu.memory_space<vmem>>
    %dma_wait3A_283 = tpu.memref_squeeze %dma_wait3A_282 : memref<1x128x64xf32, #tpu.memory_space<vmem>> -> memref<128x64xf32, #tpu.memory_space<vmem>>
    %dma_wait3A_284 = arith.constant 0 : i32
    %dma_wait3A_285 = arith.constant 0 : i32
    %dma_wait3A_286 = tpu.memref_slice %arg4[%select_n3A_275, %rem3A_277, %dma_wait3A_284, %dma_wait3A_285] : memref<200x32x128x128xf32, #tpu.memory_space<hbm>> -> memref<1x1x128x64xf32, #tpu.memory_space<hbm>>
    %dma_wait3A_287 = tpu.memref_squeeze %dma_wait3A_286 : memref<1x1x128x64xf32, #tpu.memory_space<hbm>> -> memref<128x64xf32, #tpu.memory_space<hbm>>
    %dma_wait3A_288 = tpu.memref_slice %arg8[%dma_wait3A_279] : memref<7x!tpu.dma_semaphore, #tpu.memory_space<semaphore_mem>> -> memref<1x!tpu.dma_semaphore, #tpu.memory_space<semaphore_mem>>
    %dma_wait3A_289 = tpu.memref_squeeze %dma_wait3A_288 : memref<1x!tpu.dma_semaphore, #tpu.memory_space<semaphore_mem>> -> memref<!tpu.dma_semaphore, #tpu.memory_space<semaphore_mem>>
    %dma_wait3A_290 = arith.constant 0 : i32
    %dma_wait3A_291 = arith.constant 0 : i32
    %dma_wait3A_292 = tpu.memref_slice %arg4[%select_n3A_275, %rem3A_277, %dma_wait3A_290, %dma_wait3A_291] : memref<200x32x128x128xf32, #tpu.memory_space<hbm>> -> memref<1x1x128x64xf32, #tpu.memory_space<hbm>>
    %dma_wait3A_293 = tpu.memref_squeeze %dma_wait3A_292 : memref<1x1x128x64xf32, #tpu.memory_space<hbm>> -> memref<128x64xf32, #tpu.memory_space<hbm>>
    %dma_wait3A_294 = arith.constant 0 : i32
    %dma_wait3A_295 = arith.constant 0 : i32
    %dma_wait3A_296 = tpu.memref_slice %arg6[%dma_wait3A_278, %dma_wait3A_294, %dma_wait3A_295] : memref<7x128x64xf32, #tpu.memory_space<vmem>> -> memref<1x128x64xf32, #tpu.memory_space<vmem>>
    %dma_wait3A_297 = tpu.memref_squeeze %dma_wait3A_296 : memref<1x128x64xf32, #tpu.memory_space<vmem>> -> memref<128x64xf32, #tpu.memory_space<vmem>>
    tpu.wait_dma2 semaphore(%dma_wait3A_289 : memref<!tpu.dma_semaphore, #tpu.memory_space<semaphore_mem>>) src(%dma_wait3A_297 : memref<128x64xf32, #tpu.memory_space<vmem>>) dst(%dma_wait3A_293 : memref<128x64xf32, #tpu.memory_space<hbm>>)
    %add3A_298 = arith.constant 198 : i32
    %add3A_299 = arith.addi %mul3A_2, %add3A_298 : i32
    %jit3A_300 = arith.constant 32 : i32
    %div3A_301 = arith.divsi %add3A_299, %jit3A_300 : i32
    %sign3A_302 = arith.constant 0 : i32
    %sign3A_303 = arith.cmpi sgt, %add3A_299, %sign3A_302 : i32
    %sign3A_304 = arith.extui %sign3A_303 : i1 to i32
    %sign3A_305 = arith.constant 0 : i32
    %sign3A_306 = arith.cmpi slt, %add3A_299, %sign3A_305 : i32
    %sign3A_307 = arith.extui %sign3A_306 : i1 to i32
    %sign3A_308 = arith.subi %sign3A_304, %sign3A_307 : i32
    %sign3A_309 = arith.constant 0 : i32
    %sign3A_310 = arith.cmpi sgt, %jit3A_300, %sign3A_309 : i32
    %sign3A_311 = arith.extui %sign3A_310 : i1 to i32
    %sign3A_312 = arith.constant 0 : i32
    %sign3A_313 = arith.cmpi slt, %jit3A_300, %sign3A_312 : i32
    %sign3A_314 = arith.extui %sign3A_313 : i1 to i32
    %sign3A_315 = arith.subi %sign3A_311, %sign3A_314 : i32
    %ne3A_316 = arith.cmpi ne, %sign3A_308, %sign3A_315 : i32
    %rem3A_317 = arith.remsi %add3A_299, %jit3A_300 : i32
    %ne3A_318 = arith.constant 0 : i32
    %ne3A_319 = arith.cmpi ne, %rem3A_317, %ne3A_318 : i32
    %and3A_320 = arith.andi %ne3A_316, %ne3A_319 : i1
    %sub3A_321 = arith.constant 1 : i32
    %sub3A_322 = arith.subi %div3A_301, %sub3A_321 : i32
    %select_n3A_323 = arith.select %and3A_320, %sub3A_322, %div3A_301 : i32
    %rem3A_324 = arith.constant 32 : i32
    %rem3A_325 = arith.remsi %add3A_299, %rem3A_324 : i32
    %dma_wait3A_326 = arith.constant 2 : i32
    %dma_wait3A_327 = arith.constant 2 : i32
    %dma_wait3A_328 = arith.constant 0 : i32
    %dma_wait3A_329 = arith.constant 0 : i32
    %dma_wait3A_330 = tpu.memref_slice %arg6[%dma_wait3A_326, %dma_wait3A_328, %dma_wait3A_329] : memref<7x128x64xf32, #tpu.memory_space<vmem>> -> memref<1x128x64xf32, #tpu.memory_space<vmem>>
    %dma_wait3A_331 = tpu.memref_squeeze %dma_wait3A_330 : memref<1x128x64xf32, #tpu.memory_space<vmem>> -> memref<128x64xf32, #tpu.memory_space<vmem>>
    %dma_wait3A_332 = arith.constant 0 : i32
    %dma_wait3A_333 = arith.constant 0 : i32
    %dma_wait3A_334 = tpu.memref_slice %arg4[%select_n3A_323, %rem3A_325, %dma_wait3A_332, %dma_wait3A_333] : memref<200x32x128x128xf32, #tpu.memory_space<hbm>> -> memref<1x1x128x64xf32, #tpu.memory_space<hbm>>
    %dma_wait3A_335 = tpu.memref_squeeze %dma_wait3A_334 : memref<1x1x128x64xf32, #tpu.memory_space<hbm>> -> memref<128x64xf32, #tpu.memory_space<hbm>>
    %dma_wait3A_336 = tpu.memref_slice %arg8[%dma_wait3A_327] : memref<7x!tpu.dma_semaphore, #tpu.memory_space<semaphore_mem>> -> memref<1x!tpu.dma_semaphore, #tpu.memory_space<semaphore_mem>>
    %dma_wait3A_337 = tpu.memref_squeeze %dma_wait3A_336 : memref<1x!tpu.dma_semaphore, #tpu.memory_space<semaphore_mem>> -> memref<!tpu.dma_semaphore, #tpu.memory_space<semaphore_mem>>
    %dma_wait3A_338 = arith.constant 0 : i32
    %dma_wait3A_339 = arith.constant 0 : i32
    %dma_wait3A_340 = tpu.memref_slice %arg4[%select_n3A_323, %rem3A_325, %dma_wait3A_338, %dma_wait3A_339] : memref<200x32x128x128xf32, #tpu.memory_space<hbm>> -> memref<1x1x128x64xf32, #tpu.memory_space<hbm>>
    %dma_wait3A_341 = tpu.memref_squeeze %dma_wait3A_340 : memref<1x1x128x64xf32, #tpu.memory_space<hbm>> -> memref<128x64xf32, #tpu.memory_space<hbm>>
    %dma_wait3A_342 = arith.constant 0 : i32
    %dma_wait3A_343 = arith.constant 0 : i32
    %dma_wait3A_344 = tpu.memref_slice %arg6[%dma_wait3A_326, %dma_wait3A_342, %dma_wait3A_343] : memref<7x128x64xf32, #tpu.memory_space<vmem>> -> memref<1x128x64xf32, #tpu.memory_space<vmem>>
    %dma_wait3A_345 = tpu.memref_squeeze %dma_wait3A_344 : memref<1x128x64xf32, #tpu.memory_space<vmem>> -> memref<128x64xf32, #tpu.memory_space<vmem>>
    tpu.wait_dma2 semaphore(%dma_wait3A_337 : memref<!tpu.dma_semaphore, #tpu.memory_space<semaphore_mem>>) src(%dma_wait3A_345 : memref<128x64xf32, #tpu.memory_space<vmem>>) dst(%dma_wait3A_341 : memref<128x64xf32, #tpu.memory_space<hbm>>)
    %add3A_346 = arith.constant 199 : i32
    %add3A_347 = arith.addi %mul3A_2, %add3A_346 : i32
    %jit3A_348 = arith.constant 32 : i32
    %div3A_349 = arith.divsi %add3A_347, %jit3A_348 : i32
    %sign3A_350 = arith.constant 0 : i32
    %sign3A_351 = arith.cmpi sgt, %add3A_347, %sign3A_350 : i32
    %sign3A_352 = arith.extui %sign3A_351 : i1 to i32
    %sign3A_353 = arith.constant 0 : i32
    %sign3A_354 = arith.cmpi slt, %add3A_347, %sign3A_353 : i32
    %sign3A_355 = arith.extui %sign3A_354 : i1 to i32
    %sign3A_356 = arith.subi %sign3A_352, %sign3A_355 : i32
    %sign3A_357 = arith.constant 0 : i32
    %sign3A_358 = arith.cmpi sgt, %jit3A_348, %sign3A_357 : i32
    %sign3A_359 = arith.extui %sign3A_358 : i1 to i32
    %sign3A_360 = arith.constant 0 : i32
    %sign3A_361 = arith.cmpi slt, %jit3A_348, %sign3A_360 : i32
    %sign3A_362 = arith.extui %sign3A_361 : i1 to i32
    %sign3A_363 = arith.subi %sign3A_359, %sign3A_362 : i32
    %ne3A_364 = arith.cmpi ne, %sign3A_356, %sign3A_363 : i32
    %rem3A_365 = arith.remsi %add3A_347, %jit3A_348 : i32
    %ne3A_366 = arith.constant 0 : i32
    %ne3A_367 = arith.cmpi ne, %rem3A_365, %ne3A_366 : i32
    %and3A_368 = arith.andi %ne3A_364, %ne3A_367 : i1
    %sub3A_369 = arith.constant 1 : i32
    %sub3A_370 = arith.subi %div3A_349, %sub3A_369 : i32
    %select_n3A_371 = arith.select %and3A_368, %sub3A_370, %div3A_349 : i32
    %rem3A_372 = arith.constant 32 : i32
    %rem3A_373 = arith.remsi %add3A_347, %rem3A_372 : i32
    %dma_wait3A_374 = arith.constant 3 : i32
    %dma_wait3A_375 = arith.constant 3 : i32
    %dma_wait3A_376 = arith.constant 0 : i32
    %dma_wait3A_377 = arith.constant 0 : i32
    %dma_wait3A_378 = tpu.memref_slice %arg6[%dma_wait3A_374, %dma_wait3A_376, %dma_wait3A_377] : memref<7x128x64xf32, #tpu.memory_space<vmem>> -> memref<1x128x64xf32, #tpu.memory_space<vmem>>
    %dma_wait3A_379 = tpu.memref_squeeze %dma_wait3A_378 : memref<1x128x64xf32, #tpu.memory_space<vmem>> -> memref<128x64xf32, #tpu.memory_space<vmem>>
    %dma_wait3A_380 = arith.constant 0 : i32
    %dma_wait3A_381 = arith.constant 0 : i32
    %dma_wait3A_382 = tpu.memref_slice %arg4[%select_n3A_371, %rem3A_373, %dma_wait3A_380, %dma_wait3A_381] : memref<200x32x128x128xf32, #tpu.memory_space<hbm>> -> memref<1x1x128x64xf32, #tpu.memory_space<hbm>>
    %dma_wait3A_383 = tpu.memref_squeeze %dma_wait3A_382 : memref<1x1x128x64xf32, #tpu.memory_space<hbm>> -> memref<128x64xf32, #tpu.memory_space<hbm>>
    %dma_wait3A_384 = tpu.memref_slice %arg8[%dma_wait3A_375] : memref<7x!tpu.dma_semaphore, #tpu.memory_space<semaphore_mem>> -> memref<1x!tpu.dma_semaphore, #tpu.memory_space<semaphore_mem>>
    %dma_wait3A_385 = tpu.memref_squeeze %dma_wait3A_384 : memref<1x!tpu.dma_semaphore, #tpu.memory_space<semaphore_mem>> -> memref<!tpu.dma_semaphore, #tpu.memory_space<semaphore_mem>>
    %dma_wait3A_386 = arith.constant 0 : i32
    %dma_wait3A_387 = arith.constant 0 : i32
    %dma_wait3A_388 = tpu.memref_slice %arg4[%select_n3A_371, %rem3A_373, %dma_wait3A_386, %dma_wait3A_387] : memref<200x32x128x128xf32, #tpu.memory_space<hbm>> -> memref<1x1x128x64xf32, #tpu.memory_space<hbm>>
    %dma_wait3A_389 = tpu.memref_squeeze %dma_wait3A_388 : memref<1x1x128x64xf32, #tpu.memory_space<hbm>> -> memref<128x64xf32, #tpu.memory_space<hbm>>
    %dma_wait3A_390 = arith.constant 0 : i32
    %dma_wait3A_391 = arith.constant 0 : i32
    %dma_wait3A_392 = tpu.memref_slice %arg6[%dma_wait3A_374, %dma_wait3A_390, %dma_wait3A_391] : memref<7x128x64xf32, #tpu.memory_space<vmem>> -> memref<1x128x64xf32, #tpu.memory_space<vmem>>
    %dma_wait3A_393 = tpu.memref_squeeze %dma_wait3A_392 : memref<1x128x64xf32, #tpu.memory_space<vmem>> -> memref<128x64xf32, #tpu.memory_space<vmem>>
    tpu.wait_dma2 semaphore(%dma_wait3A_385 : memref<!tpu.dma_semaphore, #tpu.memory_space<semaphore_mem>>) src(%dma_wait3A_393 : memref<128x64xf32, #tpu.memory_space<vmem>>) dst(%dma_wait3A_389 : memref<128x64xf32, #tpu.memory_space<hbm>>)
    return
  }
}

</mosaic_0001>

<sc_bundles>
// kernel: _sc_gather.3.cloned.1.call-start
scs
__scs_entry_jumppad:
0x0: {  	(pc) =	sbr.rel $0x88, $3  }
0x1: {  	(tag) =	ssettag $0x0;
	lr =	simm.s32 $0x1  }
0x2: {  	[smem:$0x3F9F] =	sst lr;
	_ =	strace $0xD0000000  }
0x3: {  	_ = 	snop  }
0x4: {  	_ = 	snop  }
0x5: {  	_ = 	snop  }
0x6: {  	_ = 	snop  }
0x7: {  	_ = 	snop  }
__scs_overlays_trampoline_lowered:
0x8: {  	[smem:$0x3FAE] =	sst s0  }
0x9: {  	[smem:$0x3FAF] =	sst s1  }
0xa: {  	[smem:$0x3FB0] =	sst s2  }
0xb: {  	[smem:$0x3FB1] =	sst s3  }
0xc: {  	[smem:$0x3FB2] =	sst s4  }
0xd: {  	[smem:$0x3FB3] =	sst s5  }
0xe: {  	[smem:$0x3FB4] =	sst s6  }
0xf: {  	[smem:$0x3FB5] =	sst s7  }
0x10: {  	[smem:$0x3FB6] =	sst s8  }
0x11: {  	[smem:$0x3FB7] =	sst s9;
	s0 =	simm.s32 @!p0 $0x0  }
0x12: {  	s1 =	sld [smem:$0x3F9D];
	s0 =	simm.s32 @p0 $0x1  }
0x13: {  	[smem:$0x3FB8] =	sst s0;
	s0 =	simm.s32 @!p1 $0x0  }
0x14: {  	s2 =	sld [smem:$0x3F9C];
	s0 =	simm.s32 @p1 $0x1  }
0x15: {  	[smem:$0x3FB9] =	sst s0;
	s0 =	simm.s32 @!p2 $0x0  }
0x16: {  	s3 =	sld [smem:$0x3FDB];
	s0 =	simm.s32 @p2 $0x1  }
0x17: {  	s4 =	simm.s32 $0x1BF5;
	[smem:$0x3FBB] =	sst s0  }
0x18: {  	s0 =	sld [smem:$0x3F9E];
	_ =	swait.ge [sflag:s4], $0x0  }
0x19: {  	s7 =	sld [smem:$0x3F9F]  }
0x1a: {  	s8 =	sadd.s32 $0xFFFFE003, lr  }
0x1b: {  	s9 =	sadd.s32 $0xFFFFFEF7, lr;
	s5 =	simm.s32 $0xFFFFFFFF;
	p2 =	slt.u32 s8, $0xFFFFF086  }
0x1c: {  	p1 =	slt.u32 s9, $0xF7A;
	s5 =	simm.s32 @!p2 $0x0  }
0x1d: {  	s5 =	simm.s32 @p1 $0x1;
	p0 =	seq.s32 s7, s2  }
0x1e: {  	s7 =	smul.u32 @!p0 $0xF7A, s2;
	p2 =	seq.s32 @!p0 s5, $0x0  }
0x1f: {  	s9 =	smul.u32 $0xF7A, s1;
	s8 =	simm.s32 @!p0 $0x1BF5;
	p2 =	por !p2, p0  }
0x20: {  	[sflag:s8] =	ssyncset.s32 @!p0 $0xFFFFF086;
	s6 =	sadd.s32 @!p0 s3, s7;
	s7 =	simm.s32 @!p0 $0x108  }
0x21: {  	s3 =	sadd.s32 s3, s9;
	s6 =	sadd.s32 @!p0 $0x88, s6;
	s7 =	simm.s32 @p2 $0x1082  }
0x22: {  	[simem:s7], [sflag:s8] =	dma.local @!p0 [hbm:s6], $0xF7A  }
0x23: {  	s9 =	sor.u32 $0xD0000000, s2;
	s6 =	simm.s32 $0x108;
	_ =	swait.ge @!p0 [sflag:s8], $0x0  }
0x24: {  	s3 =	sadd.s32 $0x88, s3;
	s6 =	simm.s32 @!p1 $0x1082;
	[sflag:s4] =	ssyncset.s32 $0xFFFFF086  }
0x25: {  	[simem:s6], [sflag:s4] =	dma.local [hbm:s3], $0xF7A  }
0x26: {  	[smem:$0x3F9F] =	sst s1;
	(tag) =	ssettag s2;
	_ =	strace s9  }
0x27: {  	s1 =	sld [smem:$0x3FAF]  }
0x28: {  	s2 =	sld [smem:$0x3FB0]  }
0x29: {  	s4 =	sld [smem:$0x3FB2]  }
0x2a: {  	p0 =	seq.s32 s5, $0x0;
	s5 =	sld [smem:$0x3FB3]  }
0x2b: {  	s6 =	sld [smem:$0x3FB4]  }
0x2c: {  	s7 =	sld [smem:$0x3FB5]  }
0x2d: {  	s3 =	simm.s32 $0x108;
	s8 =	sld [smem:$0x3FB6]  }
0x2e: {  	s3 =	simm.s32 @!p0 $0x1082;
	s9 =	sld [smem:$0x3FB7]  }
0x2f: {  	lr =	sadd.s32 s0, s3;
	s0 =	sld [smem:$0x3FAE]  }
0x30: {  	s3 =	sld [smem:$0x3FB1]  }
0x31: {  	[smem:$0x3FBA] =	sst s10  }
0x32: {  	s10 =	sld [smem:$0x3FB8];
	_ =	sdelay $0x3  }
0x33: {  	p0 =	seq.s32 s10, $0x1;
	s10 =	sld [smem:$0x3FBA];
	_ =	sdelay $0x3  }
0x34: {  	[smem:$0x3FBA] =	sst s10  }
0x35: {  	s10 =	sld [smem:$0x3FB9];
	_ =	sdelay $0x3  }
0x36: {  	p1 =	seq.s32 s10, $0x1;
	s10 =	sld [smem:$0x3FBA];
	_ =	sdelay $0x3  }
0x37: {  	[smem:$0x3FBA] =	sst s10  }
0x38: {  	s10 =	sld [smem:$0x3FBB]  }
0x39: {  	_ = 	snop;
	(pc) =	sbr.ind lr, $3  }
0x3a: {  	_ = 	snop  }
0x3b: {  	_ = 	snop  }
0x3c: {  	p2 =	seq.s32 s10, $0x1;
	s10 =	sld [smem:$0x3FBA]  }
0x3d: {  	_ =	shalt  }
0x3e: {  	_ =	shalt  }
0x3f: {  	_ =	shalt  }
0x40: {  	_ =	shalt  }
0x41: {  	_ =	shalt  }
0x42: {  	_ =	shalt  }
0x43: {  	_ =	shalt  }
0x44: {  	_ =	shalt  }
0x45: {  	_ =	shalt  }
0x46: {  	_ =	shalt  }
0x47: {  	_ =	shalt  }
0x48: {  	_ =	shalt  }
0x49: {  	_ =	shalt  }
0x4a: {  	_ =	shalt  }
0x4b: {  	_ =	shalt  }
0x4c: {  	_ =	shalt  }
0x4d: {  	_ =	shalt  }
0x4e: {  	_ =	shalt  }
0x4f: {  	_ =	shalt  }
0x50: {  	_ =	shalt  }
0x51: {  	_ =	shalt  }
0x52: {  	_ =	shalt  }
0x53: {  	_ =	shalt  }
0x54: {  	_ =	shalt  }
0x55: {  	_ =	shalt  }
0x56: {  	_ =	shalt  }
0x57: {  	_ =	shalt  }
0x58: {  	_ =	shalt  }
0x59: {  	_ =	shalt  }
0x5a: {  	_ =	shalt  }
0x5b: {  	_ =	shalt  }
0x5c: {  	_ =	shalt  }
0x5d: {  	_ =	shalt  }
0x5e: {  	_ =	shalt  }
0x5f: {  	_ =	shalt  }
0x60: {  	_ =	shalt  }
0x61: {  	_ =	shalt  }
0x62: {  	_ =	shalt  }
0x63: {  	_ =	shalt  }
0x64: {  	_ =	shalt  }
0x65: {  	_ =	shalt  }
0x66: {  	_ =	shalt  }
0x67: {  	_ =	shalt  }
0x68: {  	_ =	shalt  }
0x69: {  	_ =	shalt  }
0x6a: {  	_ =	shalt  }
0x6b: {  	_ =	shalt  }
0x6c: {  	_ =	shalt  }
0x6d: {  	_ =	shalt  }
0x6e: {  	_ =	shalt  }
0x6f: {  	_ =	shalt  }
0x70: {  	_ =	shalt  }
0x71: {  	_ =	shalt  }
0x72: {  	_ =	shalt  }
0x73: {  	_ =	shalt  }
0x74: {  	_ =	shalt  }
0x75: {  	_ =	shalt  }
0x76: {  	_ =	shalt  }
0x77: {  	_ =	shalt  }
0x78: {  	_ =	shalt  }
0x79: {  	_ =	shalt  }
0x7a: {  	_ =	shalt  }
0x7b: {  	_ =	shalt  }
0x7c: {  	_ =	shalt  }
0x7d: {  	_ =	shalt  }
0x7e: {  	_ =	shalt  }
0x7f: {  	_ =	shalt  }
0x80: {  	_ =	shalt  }
0x81: {  	_ =	shalt  }
0x82: {  	_ =	shalt  }
0x83: {  	_ =	shalt  }
0x84: {  	_ =	shalt  }
0x85: {  	_ =	shalt  }
0x86: {  	_ =	shalt  }
0x87: {  	_ =	shalt  }
.Lfunc_end0:
.L_simem_size_0:
called_computation_lowered:
.L_overlay_start_0:
0x88: {  	s2 =	sld [smem:$0x3FD9]  }
0x89: {  	s3 =	sld [smem:$0x3FFE];
	_ =	sdelay $0x1  }
0x8a: {  	s1 =	srdreg.scid  }
0x8b: {  	s0 =	sand.u32 $0x1, s1  }
0x8c: {  	s17 =	sshll.u32 s0, $0xA;
	s2 =	sadd.s32 s3, s2  }
0x8d: {  	s2 =	sadd.s32 s2, s17  }
0x8e: {  	[smem:$0x3FC6] =	sst s2  }
0x8f: {  	_ = 	snop  }
0x90: {  	s2 =	sld [smem:$0x3FC9]  }
0x91: {  	s18 =	sld [smem:$0x3FD0];
	(tm) =	ssettm $0x1  }
0x92: {  	s4 =	sld [smem:$0x3FFB];
	_ =	sdelay $0x3  }
0x93: {  	_ =	strace s4  }
0x94: {  	s4 =	sld [smem:$0x3FFC];
	_ =	sdelay $0x3  }
0x95: {  	_ =	strace s4  }
0x96: {  	s4 =	sld [smem:$0x3FFD];
	_ =	sdelay $0x3  }
0x97: {  	_ =	strace s4  }
0x98: {  	_ =	strace $0x8FFFFFFF  }
0x99: {  	s19 =	sld [smem:$0x3FDB];
	_ =	sdelay $0x1  }
0x9a: {  	s5 =	simm.s32 $_scs_section_size  }
0x9b: {  	s6 =	simm.s32 $_size__tile_overlayer_lowered;
	s7 =	simm.s32 $_tile_overlayer_lowered  }
0x9c: {  	s22 =	simm.s32 $0x1BFF;
	s21 =	sshll.u32 s7, $0x1;
	s4 =	sadd.s32 s5, s19  }
0x9d: {  	s8 =	simm.s32 $0x0;
	s20 =	sshll.u32 s6, $0x1;
	s6 =	sadd.s32 s21, s4  }
0x9e: {  	[timem:s8], [sflag:s22] =	dma.local [hbm:s6], s20  }
0x9f: {  	_ =	swait.ge [sflag:s22], s20  }
0xa0: {  	s5 =	ssub.s32 $0x0, s20;
	[sflag:s22] =	ssyncset.done $0x0  }
0xa1: {  	[sflag:s22] =	ssyncadd.s32 s5;
	_ =	sdelay $0x1  }
0xa2: {  	s23 =	simm.s32 $0x1B8B  }
0xa3: {  	_ =	swait.ge [sflag:s23], $0x1  }
0xa4: {  	[sflag:s23] =	ssyncset.done $0x0  }
0xa5: {  	s25 =	simm.s32 $0x1B8E;
	s24 =	sld [smem:$0x3FFE];
	[sflag:s23] =	ssyncadd.s32 $0xFFFFFFFF  }
0xa6: {  	s26 =	simm.s32 $execute0_lowered;
	[smem:$0x3FD2] =	sst s25  }
0xa7: {  	s6 =	sshll.u32 s26, $0x1;
	_ =	strace $0x80000046;
	[dreg:$0x1] =	wrdreg $0xFFFFFFFF  }
0xa8: {  	s28 =	simm.s32 $_size_execute0_lowered;
	s4 =	sadd.s32 s4, s6;
	[dreg:$0x0] =	wrdreg $0x0  }
0xa9: {  	s6 =	sshll.u32 s28, $0x1;
	[dreg:$0x2] =	wrdreg s4  }
0xaa: {  	[dreg:$0x3] =	wrdreg s6  }
0xab: {  	[dreg:$0x4] =	wrdreg $0xC0  }
0xac: {  	_ =	task [dreg:s8], $0x5FFFF  }
0xad: {  	[dreg:$0x1] =	wrdreg $0xFFFFFFFF  }
0xae: {  	[dreg:$0x0] =	wrdreg $0x60  }
0xaf: {  	[dreg:$0x2] =	wrdreg s2  }
0xb0: {  	[dreg:$0x3] =	wrdreg s24  }
0xb1: {  	[dreg:$0x4] =	wrdreg s18  }
0xb2: {  	[dreg:$0x5] =	wrdreg $0x9  }
0xb3: {  	_ =	task.clear_ibuf [dreg:s8], $0x6FFFF;
	_ =	strace $0x90000046  }
0xb4: {  	s29 =	simm.s32 $0x9;
	_ =	strace $0x80000048  }
0xb5: {  	_ =	swait.ge [sflag:s29], $0x1  }
0xb6: {  	[sflag:s29] =	ssyncadd.s32 $0xFFFFFFFF  }
0xb7: {  	_ =	strace $0x90000048  }
0xb8: {  	_ =	sfence  }
0xb9: {  	s30 =	sld [smem:$0x0];
	_ =	sdelay $0x2  }
0xba: {  	s31 =	sshll.u32 s1, $0xD;
	s1 =	sshrl.u32 s1, $0x2  }
0xbb: {  	s3 =	sand.u32 $0x4000, s31;
	s1 =	sadd.s32 s1, s30  }
0xbc: {  	s0 =	sor.u32 s3, s0;
	s1 =	sshll.u32 s1, $0x11  }
0xbd: {  	s0 =	sor.u32 s1, s0  }
0xbe: {  	s0 =	sadd.s32 $0x8F2B, s0  }
0xbf: {  	[sflag:s0] =	ssyncadd.remote.s32 $0x1  }
0xc0: {  	_ =	sfence.sel $0xFFFF  }
0xc1: {  	[dreg:$0x0] =	wrdreg $0xFFFFFFFF;
	(pc) =	sbr.abs _section_cstart, $3  }
0xc2: {  	[dreg:$0x1] =	wrdreg $0xFFFFFFFF  }
0xc3: {  	_ =	task.clear_ibuf [dreg:s8], $0x2FFFF;
	_ =	strace $0x9FFFFFFF  }
0xc4: {  	(tm) =	ssettm $0x7FFFFFFF  }
0xc5: {  	_ =	shalt  }
tec
execute0_lowered:
.L_overlay_start_1:
0x0: {  	(tag) =	ssettag $0x1  }
0x1: {  	s0 =	rddreg [dreg:$0x0];
	s1 =	srdreg.scid  }
0x2: {  	s7 =	stileid.u32;
	s3 =	rddreg [dreg:$0x1]  }
0x3: {  	s4 =	rddreg [dreg:$0x2];
	s31 =	simm.s32 $0x40;
	s15 =	simm.s32 $0xC  }
0x4: {  	s16 =	simm.s32 $0xD;
	s17 =	simm.s32 $0xE;
	s18 =	simm.s32 $0x8  }
0x5: {  	s19 =	simm.s32 $0x9;
	s20 =	simm.s32 $0xA;
	s21 =	simm.s32 $0xB  }
0x6: {  	s22 =	simm.s32 $0x0;
	s1 =	sand.u32 $0x1, s1;
	s2 =	sshll.u32 s7, $0x1  }
0x7: {  	s7 =	smul.u32 $0xC8000, s7;
	s3 =	sadd.s32 $0x1E84C00, s3;
	s5 =	sor.u32 s1, s2  }
0x8: {  	s2 =	simm.s32 $0x0;
	s6 =	ssub.s32 $0x2, s1;
	s1 =	smul.u32 $0x64000, s1  }
0x9: {  	s5 =	smul.u32 $0xC80, s5;
	[smem:$0x7FF] =	sst s2;
	s8 =	sshrl.u32 s6, $0x1  }
0xa: {  	s7 =	sadd.s32 s7, s4;
	_ =	strace $0x80000047;
	s6 =	ssub.s32 s6, s8  }
0xb: {  	s8 =	simm.s32 $0x80;
	[dreg:$0x4] =	wrdreg s31;
	s4 =	sadd.s32 s0, s5  }
0xc: {  	s5 =	smax.u32 s6, $0x1;
	s6 =	sadd.s32 s1, s7;
	s7 =	simm.s32 $0xF  }
.LBB2_1:
0xd: {  	[tilespmem:s2], [sflag:$0xF] =	stream.linear.gather [hbm4b:s4+s2], $0x6400, $0x38;
	[tilespmem:$0x14400] =	vst v63  }
0xe: {  	_ =	swait.ge [sflag:s7], $0x6400  }
0xf: {  	[sflag:s7] =	ssyncset.done $0x0  }
0x10: {  	s0 =	simm.s32 $0x6400;
	[sflag:s7] =	ssyncadd.s32 $0xFFFF9C00  }
0x11: {  	[tilespmem:s0], [sflag:$0x1] =	stream.indirect.gather [hbm4b:s3+s8], $0x40, s2, s8, $0xb8;
	[tilespmem:$0x14400] =	vst v63  }
0x12: {  	p1 =	por $0x0, $0x0;
	s0 =	simm.s32 $0x4  }
0x13: {  	s23 =	simm.s32 $0x8400;
	s0 =	smul.u32 @!p1 $0x25, s0  }
0x14: {  	[tilespmem:s23], [sflag:$0x2] =	stream.indirect.gather [hbm4b:s3+s8], $0x40, s8, s8, $0xb8;
	[tilespmem:$0x14400] =	vst v63  }
0x15: {  	s24 =	simm.s32 $0x100;
	s1 =	simm.s32 $0xA400;
	s0 =	sshrl.u32 @!p1 s0, $0x8  }
0x16: {  	[tilespmem:s1], [sflag:$0x3] =	stream.indirect.gather [hbm4b:s3+s8], $0x40, s24, s8, $0xb8;
	[tilespmem:$0x14400] =	vst v63  }
0x17: {  	s25 =	simm.s32 $0x180;
	p0 =	por p1, p1;
	s1 =	ssub.s32 @!p1 $0x4, s0  }
0x18: {  	s9 =	simm.s32 $0xC400;
	s23 =	smul.u32 $0x25, s2;
	s1 =	sand.u32 @!p0 $0xFE, s1  }
0x19: {  	[tilespmem:s9], [sflag:$0x4] =	stream.indirect.gather [hbm4b:s3+s8], $0x40, s25, s8, $0xb8;
	[tilespmem:$0x14400] =	vst v63  }
0x1a: {  	s24 =	sshrl.u32 s23, $0x8;
	s1 =	sshrl.u32 @!p0 s1, $0x1  }
0x1b: {  	s26 =	ssub.s32 $0x0, s24;
	s0 =	sadd.s32 @!p0 s0, s1  }
0x1c: {  	s28 =	simm.s32 $0x5;
	s1 =	sand.u32 $0xFE, s26;
	s0 =	sand.u32 @!p0 $0xFC, s0  }
0x1d: {  	s23 =	simm.s32 $0x1;
	s1 =	sshrl.u32 s1, $0x1;
	s0 =	sshrl.u32 @!p0 s0, $0x2  }
0x1e: {  	p1 =	por @!p1 $0x1, $0x1;
	s1 =	sadd.s32 s24, s1;
	s0 =	smul.u32 @!p0 $0x7, s0  }
0x1f: {  	p2 =	por p1, p0;
	p1 =	por $0x0, $0x0;
	s1 =	sand.u32 $0xFC, s1  }
0x20: {  	s25 =	simm.s32 $0x200;
	s1 =	sshrl.u32 s1, $0x2;
	s0 =	ssub.s32 @!p0 $0x4, s0  }
0x21: {  	s26 =	simm.s32 $0x2;
	s1 =	smul.u32 $0x7, s1;
	s0 =	sand.u32 @!p0 $0xFF, s0  }
0x22: {  	s24 =	simm.s32 @!p0 $0x80;
	s29 =	sadd.s32 @!p2 $0x8, s0;
	s30 =	sadd.s32 @!p0 $0x1, s0  }
0x23: {  	s1 =	ssub.s32 $0x0, s1;
	s0 =	sshll.u32 @!p0 s0, $0xD;
	_ =	swait.ge @!p2 [sflag:s29], $0x2000  }
0x24: {  	s31 =	sand.u32 $0xFF, s1;
	s0 =	sadd.s32 @!p0 $0x6400, s0;
	[sflag:s29] =	ssyncset.done @!p2 $0x0  }
0x25: {  	s1 =	sadd.s32 $0x1, s31;
	[sflag:s29] =	ssyncadd.s32 @!p2 $0xFFFFE000;
	s29 =	sshll.u32 s31, $0xD  }
0x26: {  	[tilespmem:s0], [sflag:s30] =	stream.indirect.gather @!p0 [hbm4b:s3+s24], $0x40, s25, s24, $0xb8;
	[tilespmem:$0x14400] =	vst v63  }
0x27: {  	s0 =	smul.u32 @!p1 $0x25, s28;
	p0 =	por @!p1 $0x1, $0x1;
	_ =	swait.ge [sflag:s1], $0x2000  }
0x28: {  	s25 =	simm.s32 $0x280;
	s24 =	smov.u32 s6;
	[sflag:s1] =	ssyncset.done $0x0  }
0x29: {  	s30 =	rddreg [dreg:$0x4];
	s0 =	sshrl.u32 @!p1 s0, $0x8;
	[sflag:s1] =	ssyncadd.s32 $0xFFFFE000  }
.LBB2_2:
0x2a: {  	s9 =	ssub.s32 @!p1 s28, s0  }
0x2b: {  	s11 =	smov.u32 s28;
	p3 =	por p1, p1;
	s28 =	smul.u32 $0x25, s23  }
0x2c: {  	s1 =	smov.u32 s26;
	s26 =	sadd.s32 $0x1, s26;
	s9 =	sand.u32 @!p3 $0xFE, s9  }
0x2d: {  	s10 =	smov.u32 s24;
	s9 =	sshrl.u32 @!p3 s9, $0x1;
	s14 =	sshrl.u32 s28, $0x8  }
0x2e: {  	s24 =	sadd.s32 $0x800, s24;
	s0 =	sadd.s32 @!p3 s0, s9;
	s28 =	ssub.s32 s23, s14  }
0x2f: {  	s31 =	sor.u32 $0x8, s31;
	s0 =	sand.u32 @!p3 $0xFC, s0;
	s28 =	sand.u32 $0xFE, s28  }
0x30: {  	p2 =	sne.s32 s26, $0xC8;
	s0 =	sshrl.u32 @!p3 s0, $0x2;
	s13 =	sshrl.u32 s28, $0x1  }
0x31: {  	s12 =	simm.s32 @!p3 $0x80;
	s0 =	smul.u32 @!p3 $0x7, s0;
	s9 =	sadd.s32 s14, s13  }
0x32: {  	p1 =	sgt.u32 s1, $0xC3;
	p0 =	por p0, p3;
	s9 =	sand.u32 $0xFC, s9  }
0x33: {  	s28 =	sadd.s32 $0x4, s1;
	s0 =	ssub.s32 @!p3 s11, s0;
	s9 =	sshrl.u32 s9, $0x2  }
0x34: {  	s11 =	sadd.s32 $0x6400, s29;
	s0 =	sand.u32 @!p3 $0xFF, s0;
	s9 =	smul.u32 $0x7, s9  }
0x35: {  	[hbm4b:s10+s30] =	stream.strided.scatter [tilespmem:s11], [sflag:s31], $0x2000, s8, s30, $0x38;
	[tilespmem:$0x14400] =	vst v63  }
0x36: {  	s13 =	sadd.s32 @!p0 $0x8, s0;
	s14 =	sadd.s32 @!p3 $0x1, s0;
	s0 =	sshll.u32 @!p3 s0, $0xD  }
0x37: {  	_ =	swait.ge @!p0 [sflag:s13], $0x2000;
	s9 =	ssub.s32 s23, s9;
	s0 =	sadd.s32 @!p3 $0x6400, s0  }
0x38: {  	s23 =	smov.u32 s1;
	[sflag:s13] =	ssyncset.done @!p0 $0x0;
	s31 =	sand.u32 $0xFF, s9  }
.Ltmp0:
0x39: {  	[sflag:s13] =	ssyncadd.s32 @!p0 $0xFFFFE000;
	s9 =	sadd.s32 $0x1, s31;
	(pc) =	sbr.rel @p2 .LBB2_2-.Ltmp0, $4  }
0x3a: {  	[tilespmem:s0], [sflag:s14] =	stream.indirect.gather @!p3 [hbm4b:s3+s12], $0x40, s25, s12, $0xb8;
	[tilespmem:$0x14400] =	vst v63  }
0x3b: {  	s29 =	sshll.u32 s31, $0xD;
	s0 =	smul.u32 @!p1 $0x25, s28;
	_ =	swait.ge [sflag:s9], $0x2000  }
0x3c: {  	p0 =	slt.u32 @!p1 s1, $0x3;
	s25 =	sadd.s32 $0x80, s25;
	[sflag:s9] =	ssyncset.done $0x0  }
0x3d: {  	s30 =	rddreg [dreg:$0x4];
	s0 =	sshrl.u32 @!p1 s0, $0x8;
	[sflag:s9] =	ssyncadd.s32 $0xFFFFE000  }
0x3e: {  	s1 =	ssub.s32 @!p1 s28, s0;
	p1 =	por p1, p1;
	s9 =	smul.u32 $0x25, s23  }
0x3f: {  	s26 =	sor.u32 $0x8, s31;
	s11 =	sadd.s32 $0x6400, s29;
	s1 =	sand.u32 @!p1 $0xFE, s1  }
0x40: {  	[hbm4b:s24+s30] =	stream.strided.scatter [tilespmem:s11], [sflag:s26], $0x2000, s8, s30, $0x38;
	[tilespmem:$0x14400] =	vst v63  }
0x41: {  	s1 =	sshrl.u32 @!p1 s1, $0x1;
	s14 =	sshrl.u32 s9, $0x8  }
0x42: {  	s0 =	sadd.s32 @!p1 s0, s1;
	s9 =	ssub.s32 s23, s14  }
0x43: {  	s0 =	sand.u32 @!p1 $0xFC, s0;
	s9 =	sand.u32 $0xFE, s9  }
0x44: {  	s0 =	sshrl.u32 @!p1 s0, $0x2;
	s9 =	sshrl.u32 s9, $0x1  }
0x45: {  	s0 =	smul.u32 @!p1 $0x7, s0;
	s1 =	sadd.s32 s14, s9  }
0x46: {  	s1 =	sand.u32 $0xFC, s1  }
0x47: {  	s0 =	ssub.s32 @!p1 s28, s0;
	s1 =	sshrl.u32 s1, $0x2  }
0x48: {  	p0 =	por p0, p1;
	s0 =	sand.u32 @!p1 $0xFF, s0;
	s1 =	smul.u32 $0x7, s1  }
0x49: {  	s10 =	simm.s32 @!p1 $0x80;
	s12 =	sadd.s32 @!p0 $0x8, s0  }
0x4a: {  	s9 =	sadd.s32 @!p1 $0x1, s0;
	_ =	swait.ge @!p0 [sflag:s12], $0x2000;
	s1 =	ssub.s32 s23, s1  }
0x4b: {  	s0 =	sshll.u32 @!p1 s0, $0xD;
	[sflag:s12] =	ssyncset.done @!p0 $0x0;
	s1 =	sand.u32 $0xFF, s1  }
0x4c: {  	s0 =	sadd.s32 @!p1 $0x6400, s0;
	[sflag:s12] =	ssyncadd.s32 @!p0 $0xFFFFE000;
	s28 =	sadd.s32 $0x1, s1  }
0x4d: {  	[tilespmem:s0], [sflag:s9] =	stream.indirect.gather @!p1 [hbm4b:s3+s10], $0x40, s25, s10, $0xb8;
	[tilespmem:$0x14400] =	vst v63  }
0x4e: {  	s30 =	sadd.s32 $0x800, s24;
	_ =	swait.ge [sflag:s28], $0x2000  }
0x4f: {  	s31 =	sshll.u32 s1, $0xD;
	s1 =	sor.u32 $0x8, s1;
	[sflag:s28] =	ssyncset.done $0x0  }
0x50: {  	s10 =	sadd.s32 $0x6400, s31;
	s29 =	rddreg [dreg:$0x4];
	[sflag:s28] =	ssyncadd.s32 $0xFFFFE000  }
0x51: {  	[hbm4b:s30+s29] =	stream.strided.scatter [tilespmem:s10], [sflag:s1], $0x2000, s8, s29, $0x38;
	[tilespmem:$0x14400] =	vst v63  }
0x52: {  	_ =	swait.ge [sflag:s15], $0x2000  }
0x53: {  	[sflag:s15] =	ssyncset.done $0x0  }
0x54: {  	[sflag:s15] =	ssyncadd.s32 $0xFFFFE000  }
0x55: {  	_ =	swait.ge [sflag:s16], $0x2000  }
0x56: {  	[sflag:s16] =	ssyncset.done $0x0  }
0x57: {  	[sflag:s16] =	ssyncadd.s32 $0xFFFFE000  }
0x58: {  	_ =	swait.ge [sflag:s17], $0x2000  }
0x59: {  	[sflag:s17] =	ssyncset.done $0x0  }
0x5a: {  	[sflag:s17] =	ssyncadd.s32 $0xFFFFE000  }
0x5b: {  	_ =	swait.ge [sflag:s18], $0x2000  }
0x5c: {  	[sflag:s18] =	ssyncset.done $0x0  }
0x5d: {  	[sflag:s18] =	ssyncadd.s32 $0xFFFFE000  }
0x5e: {  	_ =	swait.ge [sflag:s19], $0x2000  }
0x5f: {  	[sflag:s19] =	ssyncset.done $0x0  }
0x60: {  	s22 =	sadd.s32 $0x1, s22;
	[sflag:s19] =	ssyncadd.s32 $0xFFFFE000  }
0x61: {  	p0 =	sne.s32 s22, s5;
	_ =	swait.ge [sflag:s20], $0x2000  }
.Ltmp1:
0x62: {  	[sflag:s20] =	ssyncset.done $0x0;
	(pc) =	sbr.rel @p0 .LBB2_1-.Ltmp1, $4  }
0x63: {  	[sflag:s20] =	ssyncadd.s32 $0xFFFFE000  }
0x64: {  	_ =	swait.ge [sflag:s21], $0x2000  }
0x65: {  	[sflag:s21] =	ssyncset.done $0x0  }
0x66: {  	[sflag:s21] =	ssyncadd.s32 $0xFFFFE000  }
0x67: {  	_ =	sfence.sel $0x180000  }
0x68: {  	[bflag:$0x0] =	sbarrier.arrive $0xFFFF  }
0x69: {  	_ =	strace $0x90000047  }
0x6a: {  	s0 =	stileid.u32;
	[bflag:$0x2] =	sbarrier.arrive $0xFFFF  }
0x6b: {  	p0 =	sne.s32 s0, $0x0;
	s0 =	rddreg [dreg:$0x3]  }
0x6c: {  	s0 =	sadd.s32 @!p0 $0x100000, s0  }
0x6d: {  	[sflag:s0] =	ssyncadd.tile.s32 @!p0 $0x1;
	_ =	shalt  }
.Lfunc_end2:
_tile_overlayer_lowered:
.L_overlay_start_2:
0x6e: {  	(tag) =	ssettag $0x2  }
0x6f: {  	s0 =	rddreg [dreg:$0x0];
	s2 =	stileid.u32  }
0x70: {  	s1 =	rddreg [dreg:$0x1];
	p0 =	sne.s32 s2, $0x0  }
0x71: {  	s3 =	rddreg [dreg:$0x2];
	[bflag:$0x3] =	sbarrier.arrive $0xFFFF;
	s2 =	simm.s32 @!p0 $0x1C0F  }
0x72: {  	[timem:s3], [sflag:s2] =	dma.local @!p0 [hbm:s0], s1  }
0x73: {  	s0 =	simm.s32 @!p0 $0xF  }
0x74: {  	_ =	swait.ge @!p0 [sflag:s0], s1  }
0x75: {  	s1 =	ssub.s32 @!p0 $0x0, s1;
	[sflag:s0] =	ssyncset.done @!p0 $0x0  }
0x76: {  	[sflag:s0] =	ssyncadd.s32 @!p0 s1  }
0x77: {  	[bflag:$0x3] =	sbarrier.arrive $0xFFFF  }
0x78: {  	_ =	shalt  }

</sc_bundles>
